<compile_context>
chip_gen: v7x
topology: tpu7x:2x2x1
jax: 0.10.2.dev20260603
libtpu: 0.0.44.dev20260713+nightly
codegen_flags: <defaults>
</compile_context>

<pallas_src>
import functools

import jax
import jax.numpy as jnp
from jax import lax
from jax.experimental import pallas as pl
from jax.experimental.pallas import tpu as pltpu
from jax.experimental.pallas import tpu_sc as plsc

_BATCH = 16384
_BIT = 64
_NTRAIN = 100000
_NC = 2
_NS = 16
_NW = _NC * _NS
_CPW = _BIT // _NW
_CHUNK = 4096
_NCHUNK = _BATCH // _CHUNK
_L = 16


@functools.partial(
    pl.kernel,
    out_type=jax.ShapeDtypeStruct((_NW, _L), jnp.float32),
    mesh=plsc.VectorSubcoreMesh(core_axis_name="c", subcore_axis_name="s"),
    compiler_params=pltpu.CompilerParams(needs_layout_passes=False),
    scratch_types=[
        pltpu.VMEM((_NTRAIN,), jnp.float32),
        pltpu.VMEM((_BATCH,), jnp.int32),
        pltpu.VMEM((2, _CHUNK), jnp.float32),
        pltpu.VMEM((_L,), jnp.float32),
        pltpu.SemaphoreType.DMA,
        pltpu.SemaphoreType.DMA,
        pltpu.SemaphoreType.DMA,
        pltpu.SemaphoreType.DMA,
    ],
)
def _sc_sq_err(ut_hbm, ind_hbm, ht_hbm, out_hbm, tab_v, idx_v, u_v, part_v,
               sem_t, sem_i, sem_u0, sem_u1):
    wid = lax.axis_index("s") * _NC + lax.axis_index("c")

    sem_u = (sem_u0, sem_u1)

    cp_i = pltpu.async_copy(ind_hbm, idx_v, sem_i)

    def start_u(col, k, slot):
        pltpu.async_copy(
            ut_hbm.at[col, pl.ds(k * _CHUNK, _CHUNK)], u_v.at[slot],
            sem_u[slot])

    def wait_u(slot):
        pltpu.make_async_copy(
            ind_hbm.at[pl.ds(0, _CHUNK)], u_v.at[slot], sem_u[slot]).wait()

    def accum(base, slot, accs):
        def body(j, accs):
            a0, a1 = accs
            i0 = idx_v[pl.ds(base + 2 * _L * j, _L)]
            i1 = idx_v[pl.ds(base + 2 * _L * j + _L, _L)]
            h0 = plsc.load_gather(tab_v, [i0])
            h1 = plsc.load_gather(tab_v, [i1])
            d0 = u_v[slot, pl.ds(2 * _L * j, _L)] - h0
            d1 = u_v[slot, pl.ds(2 * _L * j + _L, _L)] - h1
            return (a0 + d0 * d0, a1 + d1 * d1)

        return lax.fori_loop(0, _CHUNK // (2 * _L), body, accs)

    zero = jnp.zeros((_L,), jnp.float32)
    accs = (zero, zero)
    first = True
    for cc in range(_CPW):
        col = wid * _CPW + cc
        tab = pltpu.async_copy(ht_hbm.at[col], tab_v, sem_t)
        start_u(col, 0, 0)
        if first:
            cp_i.wait()
            first = False
        tab.wait()
        for k in range(_NCHUNK):
            slot = k % 2
            if k + 1 < _NCHUNK:
                start_u(col, k + 1, 1 - slot)
            wait_u(slot)
            accs = accum(k * _CHUNK, slot, accs)

    a0, a1 = accs
    part_v[...] = (a0 + a1) * jnp.float32(1.0 / (_BATCH * _BIT))
    pltpu.sync_copy(part_v, out_hbm.at[wid])


def kernel(u, ind, H):
    partials = _sc_sq_err(u.T, ind, H.T)
    return jnp.sum(partials)

# --- scband reference (transcript-rebuilt; emitter-appended) ---
"""Pipeline reference for scband-cnnhloss-33054068310315 (READ-ONLY COPY).

The authoritative reference and input builder live on the scoring server;
editing this copy changes nothing except your own understanding.
"""

import jax, jax.numpy as jnp
import numpy as np

NUM_TRAIN = 100000
BIT = 64
BATCH = 16384

def setup_inputs(seed: int = 0) -> dict:
    key = jax.random.key(seed)
    k1, k2, k3 = jax.random.split(key, 3)
    u = jax.random.normal(k1, (BATCH, BIT), dtype=jnp.float32)
    ind = jax.random.randint(k2, (BATCH,), 0, NUM_TRAIN, dtype=jnp.int32)
    # H is the precomputed binary code table from stage_one (sign-valued),
    # treated as a fixed learned parameter sized [num_train, bit].
    H = jnp.sign(jax.random.normal(k3, (NUM_TRAIN, BIT), dtype=jnp.float32))
    H = jnp.where(H == 0, 1.0, H)
    return {"u": u, "ind": ind, "H": H}

def reference(u, ind, H):
    # forward: loss = (u - H[ind]).pow(2).mean()
    h_sel = jnp.take(H, ind, axis=0)
    loss = jnp.mean((u - h_sel) ** 2)
    return loss

if __name__ == "__main__":
    import jax
    _d = setup_inputs()
    print(jax.jit(kernel)(*tuple(_d.values())))

</pallas_src>

<mosaic_0001>
#map = affine_map<(d0, d1) -> (0, 0)>
#map1 = affine_map<(d0, d1) -> (0)>
module attributes {stable_mosaic.version = 14 : i64} {
  func.func @_sc_sq_err(%arg0: i32, %arg1: i32, %arg2: memref<64x16384xf32, #tpu.memory_space<hbm>>, %arg3: memref<16384xi32, #tpu.memory_space<hbm>>, %arg4: memref<64x100000xf32, #tpu.memory_space<hbm>>, %arg5: memref<32x16xf32, #tpu.memory_space<hbm>>, %arg6: memref<100000xf32, #tpu.memory_space<vmem>>, %arg7: memref<16384xi32, #tpu.memory_space<vmem>>, %arg8: memref<2x4096xf32, #tpu.memory_space<vmem>>, %arg9: memref<16xf32, #tpu.memory_space<vmem>>, %arg10: memref<!tpu.dma_semaphore, #tpu.memory_space<semaphore_mem>>, %arg11: memref<!tpu.dma_semaphore, #tpu.memory_space<semaphore_mem>>, %arg12: memref<!tpu.dma_semaphore, #tpu.memory_space<semaphore_mem>>, %arg13: memref<!tpu.dma_semaphore, #tpu.memory_space<semaphore_mem>>) attributes {dimension_semantics = [#tpu.dimension_semantics<core_parallel>, #tpu.dimension_semantics<subcore_parallel>], iteration_bounds = array<i64: 2, 16>, scalar_prefetch = 0 : i64, scratch_operands = 8 : i64, tpu.core_type = #tpu.core_type<sc_vector_subcore>, window_params = [{transform_indices = #map}, {transform_indices = #map1}, {transform_indices = #map}, {transform_indices = #map}]} {
    %mul3A = arith.constant 2 : i32
    %mul3A_0 = arith.muli %arg1, %mul3A : i32
    %add3A = arith.addi %mul3A_0, %arg0 : i32
    tpu.enqueue_dma source(%arg3 : memref<16384xi32, #tpu.memory_space<hbm>>) target(%arg7 : memref<16384xi32, #tpu.memory_space<vmem>>) target_semaphore(%arg11 : memref<!tpu.dma_semaphore, #tpu.memory_space<semaphore_mem>>)
    %broadcast_in_dim3A = arith.constant 0.000000e+00 : f32
    %broadcast_in_dim3A_1 = vector.broadcast %broadcast_in_dim3A : f32 to vector<16xf32>
    %mul3A_2 = arith.constant 2 : i32
    %mul3A_3 = arith.muli %add3A, %mul3A_2 : i32
    %add3A_4 = arith.constant 0 : i32
    %add3A_5 = arith.addi %mul3A_3, %add3A_4 : i32
    %dma_start3A = arith.constant 0 : i32
    %dma_start3A_6 = tpu.memref_slice %arg4[%add3A_5, %dma_start3A] : memref<64x100000xf32, #tpu.memory_space<hbm>> -> memref<1x100000xf32, #tpu.memory_space<hbm>>
    %dma_start3A_7 = tpu.memref_squeeze %dma_start3A_6 : memref<1x100000xf32, #tpu.memory_space<hbm>> -> memref<100000xf32, #tpu.memory_space<hbm>>
    %dma_start3A_8 = arith.constant 0 : i32
    %dma_start3A_9 = tpu.memref_slice %arg4[%add3A_5, %dma_start3A_8] : memref<64x100000xf32, #tpu.memory_space<hbm>> -> memref<1x100000xf32, #tpu.memory_space<hbm>>
    %dma_start3A_10 = tpu.memref_squeeze %dma_start3A_9 : memref<1x100000xf32, #tpu.memory_space<hbm>> -> memref<100000xf32, #tpu.memory_space<hbm>>
    tpu.enqueue_dma source(%dma_start3A_10 : memref<100000xf32, #tpu.memory_space<hbm>>) target(%arg6 : memref<100000xf32, #tpu.memory_space<vmem>>) target_semaphore(%arg10 : memref<!tpu.dma_semaphore, #tpu.memory_space<semaphore_mem>>)
    %dma_start3A_11 = arith.constant 0 : i32
    %dma_start3A_12 = arith.constant 0 : i32
    %dma_start3A_13 = tpu.memref_slice %arg8[%dma_start3A_11, %dma_start3A_12] : memref<2x4096xf32, #tpu.memory_space<vmem>> -> memref<1x4096xf32, #tpu.memory_space<vmem>>
    %dma_start3A_14 = tpu.memref_squeeze %dma_start3A_13 : memref<1x4096xf32, #tpu.memory_space<vmem>> -> memref<4096xf32, #tpu.memory_space<vmem>>
    %dma_start3A_15 = arith.constant 0 : i32
    %dma_start3A_16 = tpu.memref_slice %arg2[%add3A_5, %dma_start3A_15] : memref<64x16384xf32, #tpu.memory_space<hbm>> -> memref<1x4096xf32, #tpu.memory_space<hbm>>
    %dma_start3A_17 = tpu.memref_squeeze %dma_start3A_16 : memref<1x4096xf32, #tpu.memory_space<hbm>> -> memref<4096xf32, #tpu.memory_space<hbm>>
    %dma_start3A_18 = arith.constant 0 : i32
    %dma_start3A_19 = tpu.memref_slice %arg8[%dma_start3A_11, %dma_start3A_18] : memref<2x4096xf32, #tpu.memory_space<vmem>> -> memref<1x4096xf32, #tpu.memory_space<vmem>>
    %dma_start3A_20 = tpu.memref_squeeze %dma_start3A_19 : memref<1x4096xf32, #tpu.memory_space<vmem>> -> memref<4096xf32, #tpu.memory_space<vmem>>
    %dma_start3A_21 = arith.constant 0 : i32
    %dma_start3A_22 = tpu.memref_slice %arg2[%add3A_5, %dma_start3A_21] : memref<64x16384xf32, #tpu.memory_space<hbm>> -> memref<1x4096xf32, #tpu.memory_space<hbm>>
    %dma_start3A_23 = tpu.memref_squeeze %dma_start3A_22 : memref<1x4096xf32, #tpu.memory_space<hbm>> -> memref<4096xf32, #tpu.memory_space<hbm>>
    tpu.enqueue_dma source(%dma_start3A_23 : memref<4096xf32, #tpu.memory_space<hbm>>) target(%dma_start3A_20 : memref<4096xf32, #tpu.memory_space<vmem>>) target_semaphore(%arg12 : memref<!tpu.dma_semaphore, #tpu.memory_space<semaphore_mem>>)
    tpu.wait_dma2 semaphore(%arg11 : memref<!tpu.dma_semaphore, #tpu.memory_space<semaphore_mem>>) src(%arg3 : memref<16384xi32, #tpu.memory_space<hbm>>) dst(%arg7 : memref<16384xi32, #tpu.memory_space<vmem>>)
    %dma_wait3A = arith.constant 0 : i32
    %dma_wait3A_24 = tpu.memref_slice %arg4[%add3A_5, %dma_wait3A] : memref<64x100000xf32, #tpu.memory_space<hbm>> -> memref<1x100000xf32, #tpu.memory_space<hbm>>
    %dma_wait3A_25 = tpu.memref_squeeze %dma_wait3A_24 : memref<1x100000xf32, #tpu.memory_space<hbm>> -> memref<100000xf32, #tpu.memory_space<hbm>>
    %dma_wait3A_26 = arith.constant 0 : i32
    %dma_wait3A_27 = tpu.memref_slice %arg4[%add3A_5, %dma_wait3A_26] : memref<64x100000xf32, #tpu.memory_space<hbm>> -> memref<1x100000xf32, #tpu.memory_space<hbm>>
    %dma_wait3A_28 = tpu.memref_squeeze %dma_wait3A_27 : memref<1x100000xf32, #tpu.memory_space<hbm>> -> memref<100000xf32, #tpu.memory_space<hbm>>
    tpu.wait_dma2 semaphore(%arg10 : memref<!tpu.dma_semaphore, #tpu.memory_space<semaphore_mem>>) src(%dma_wait3A_28 : memref<100000xf32, #tpu.memory_space<hbm>>) dst(%arg6 : memref<100000xf32, #tpu.memory_space<vmem>>)
    %dma_start3A_29 = arith.constant 1 : i32
    %dma_start3A_30 = arith.constant 0 : i32
    %dma_start3A_31 = tpu.memref_slice %arg8[%dma_start3A_29, %dma_start3A_30] : memref<2x4096xf32, #tpu.memory_space<vmem>> -> memref<1x4096xf32, #tpu.memory_space<vmem>>
    %dma_start3A_32 = tpu.memref_squeeze %dma_start3A_31 : memref<1x4096xf32, #tpu.memory_space<vmem>> -> memref<4096xf32, #tpu.memory_space<vmem>>
    %dma_start3A_33 = arith.constant 4096 : i32
    %dma_start3A_34 = tpu.memref_slice %arg2[%add3A_5, %dma_start3A_33] : memref<64x16384xf32, #tpu.memory_space<hbm>> -> memref<1x4096xf32, #tpu.memory_space<hbm>>
    %dma_start3A_35 = tpu.memref_squeeze %dma_start3A_34 : memref<1x4096xf32, #tpu.memory_space<hbm>> -> memref<4096xf32, #tpu.memory_space<hbm>>
    %dma_start3A_36 = arith.constant 0 : i32
    %dma_start3A_37 = tpu.memref_slice %arg8[%dma_start3A_29, %dma_start3A_36] : memref<2x4096xf32, #tpu.memory_space<vmem>> -> memref<1x4096xf32, #tpu.memory_space<vmem>>
    %dma_start3A_38 = tpu.memref_squeeze %dma_start3A_37 : memref<1x4096xf32, #tpu.memory_space<vmem>> -> memref<4096xf32, #tpu.memory_space<vmem>>
    %dma_start3A_39 = arith.constant 4096 : i32
    %dma_start3A_40 = tpu.memref_slice %arg2[%add3A_5, %dma_start3A_39] : memref<64x16384xf32, #tpu.memory_space<hbm>> -> memref<1x4096xf32, #tpu.memory_space<hbm>>
    %dma_start3A_41 = tpu.memref_squeeze %dma_start3A_40 : memref<1x4096xf32, #tpu.memory_space<hbm>> -> memref<4096xf32, #tpu.memory_space<hbm>>
    tpu.enqueue_dma source(%dma_start3A_41 : memref<4096xf32, #tpu.memory_space<hbm>>) target(%dma_start3A_38 : memref<4096xf32, #tpu.memory_space<vmem>>) target_semaphore(%arg13 : memref<!tpu.dma_semaphore, #tpu.memory_space<semaphore_mem>>)
    %dma_wait3A_42 = arith.constant 0 : i32
    %dma_wait3A_43 = arith.constant 0 : i32
    %dma_wait3A_44 = tpu.memref_slice %arg8[%dma_wait3A_42, %dma_wait3A_43] : memref<2x4096xf32, #tpu.memory_space<vmem>> -> memref<1x4096xf32, #tpu.memory_space<vmem>>
    %dma_wait3A_45 = tpu.memref_squeeze %dma_wait3A_44 : memref<1x4096xf32, #tpu.memory_space<vmem>> -> memref<4096xf32, #tpu.memory_space<vmem>>
    %dma_wait3A_46 = arith.constant 0 : i32
    %dma_wait3A_47 = tpu.memref_slice %arg3[%dma_wait3A_46] : memref<16384xi32, #tpu.memory_space<hbm>> -> memref<4096xi32, #tpu.memory_space<hbm>>
    %dma_wait3A_48 = arith.constant 0 : i32
    %dma_wait3A_49 = tpu.memref_slice %arg8[%dma_wait3A_42, %dma_wait3A_48] : memref<2x4096xf32, #tpu.memory_space<vmem>> -> memref<1x4096xf32, #tpu.memory_space<vmem>>
    %dma_wait3A_50 = tpu.memref_squeeze %dma_wait3A_49 : memref<1x4096xf32, #tpu.memory_space<vmem>> -> memref<4096xf32, #tpu.memory_space<vmem>>
    %dma_wait3A_51 = arith.constant 0 : i32
    %dma_wait3A_52 = tpu.memref_slice %arg3[%dma_wait3A_51] : memref<16384xi32, #tpu.memory_space<hbm>> -> memref<4096xi32, #tpu.memory_space<hbm>>
    tpu.wait_dma2 semaphore(%arg12 : memref<!tpu.dma_semaphore, #tpu.memory_space<semaphore_mem>>) src(%dma_wait3A_52 : memref<4096xi32, #tpu.memory_space<hbm>>) dst(%dma_wait3A_50 : memref<4096xf32, #tpu.memory_space<vmem>>)
    %scan3A = arith.constant 0 : i32
    %scan3A_53 = arith.constant 128 : i32
    %scan3A_54 = arith.addi %scan3A, %scan3A_53 : i32
    %scan3A_55 = arith.constant 1 : i32
    %scan3A_56:2 = scf.for %scan3A_276 = %scan3A to %scan3A_54 step %scan3A_55 iter_args(%scan3A_277 = %broadcast_in_dim3A_1, %scan3A_278 = %broadcast_in_dim3A_1) -> (vector<16xf32>, vector<16xf32>)  : i32 {
      %mul3A_279 = arith.constant 32 : i32
      %mul3A_280 = arith.muli %mul3A_279, %scan3A_276 : i32
      %add3A_281 = arith.constant 0 : i32
      %add3A_282 = arith.addi %add3A_281, %mul3A_280 : i32
      %get3A = arith.index_cast %add3A_282 : i32 to index
      %get3A_283 = tpu.vector_load %arg7[%get3A] {strides = array<i32>} : memref<16384xi32, #tpu.memory_space<vmem>>, vector<16xi32>,
      %mul3A_284 = arith.constant 32 : i32
      %mul3A_285 = arith.muli %mul3A_284, %scan3A_276 : i32
      %add3A_286 = arith.constant 0 : i32
      %add3A_287 = arith.addi %add3A_286, %mul3A_285 : i32
      %add3A_288 = arith.constant 16 : i32
      %add3A_289 = arith.addi %add3A_287, %add3A_288 : i32
      %get3A_290 = arith.index_cast %add3A_289 : i32 to index
      %get3A_291 = tpu.vector_load %arg7[%get3A_290] {strides = array<i32>} : memref<16384xi32, #tpu.memory_space<vmem>>, vector<16xi32>,
      %gather3A = tpu.vector_load_idx %arg6[%get3A_283] : memref<100000xf32, #tpu.memory_space<vmem>>[vector<16xi32>], vector<16xf32>,
      %gather3A_292 = tpu.vector_load_idx %arg6[%get3A_291] : memref<100000xf32, #tpu.memory_space<vmem>>[vector<16xi32>], vector<16xf32>,
      %mul3A_293 = arith.constant 32 : i32
      %mul3A_294 = arith.muli %mul3A_293, %scan3A_276 : i32
      %get3A_295 = arith.constant 0 : i32
      %get3A_296 = arith.index_cast %get3A_295 : i32 to index
      %get3A_297 = arith.index_cast %mul3A_294 : i32 to index
      %get3A_298 = tpu.vector_load %arg8[%get3A_296, %get3A_297] {strides = array<i32>} : memref<2x4096xf32, #tpu.memory_space<vmem>>, vector<16xf32>,
      %sub3A = arith.subf %get3A_298, %gather3A : vector<16xf32>
      %mul3A_299 = arith.constant 32 : i32
      %mul3A_300 = arith.muli %mul3A_299, %scan3A_276 : i32
      %add3A_301 = arith.constant 16 : i32
      %add3A_302 = arith.addi %mul3A_300, %add3A_301 : i32
      %get3A_303 = arith.constant 0 : i32
      %get3A_304 = arith.index_cast %get3A_303 : i32 to index
      %get3A_305 = arith.index_cast %add3A_302 : i32 to index
      %get3A_306 = tpu.vector_load %arg8[%get3A_304, %get3A_305] {strides = array<i32>} : memref<2x4096xf32, #tpu.memory_space<vmem>>, vector<16xf32>,
      %sub3A_307 = arith.subf %get3A_306, %gather3A_292 : vector<16xf32>
      %mul3A_308 = arith.mulf %sub3A, %sub3A : vector<16xf32>
      %add3A_309 = arith.addf %scan3A_277, %mul3A_308 : vector<16xf32>
      %mul3A_310 = arith.mulf %sub3A_307, %sub3A_307 : vector<16xf32>
      %add3A_311 = arith.addf %scan3A_278, %mul3A_310 : vector<16xf32>
      scf.yield %add3A_309, %add3A_311 : vector<16xf32>, vector<16xf32>
    }
    %scan3A_57 = arith.constant 128 : i32
    %dma_start3A_58 = arith.constant 0 : i32
    %dma_start3A_59 = arith.constant 0 : i32
    %dma_start3A_60 = tpu.memref_slice %arg8[%dma_start3A_58, %dma_start3A_59] : memref<2x4096xf32, #tpu.memory_space<vmem>> -> memref<1x4096xf32, #tpu.memory_space<vmem>>
    %dma_start3A_61 = tpu.memref_squeeze %dma_start3A_60 : memref<1x4096xf32, #tpu.memory_space<vmem>> -> memref<4096xf32, #tpu.memory_space<vmem>>
    %dma_start3A_62 = arith.constant 8192 : i32
    %dma_start3A_63 = tpu.memref_slice %arg2[%add3A_5, %dma_start3A_62] : memref<64x16384xf32, #tpu.memory_space<hbm>> -> memref<1x4096xf32, #tpu.memory_space<hbm>>
    %dma_start3A_64 = tpu.memref_squeeze %dma_start3A_63 : memref<1x4096xf32, #tpu.memory_space<hbm>> -> memref<4096xf32, #tpu.memory_space<hbm>>
    %dma_start3A_65 = arith.constant 0 : i32
    %dma_start3A_66 = tpu.memref_slice %arg8[%dma_start3A_58, %dma_start3A_65] : memref<2x4096xf32, #tpu.memory_space<vmem>> -> memref<1x4096xf32, #tpu.memory_space<vmem>>
    %dma_start3A_67 = tpu.memref_squeeze %dma_start3A_66 : memref<1x4096xf32, #tpu.memory_space<vmem>> -> memref<4096xf32, #tpu.memory_space<vmem>>
    %dma_start3A_68 = arith.constant 8192 : i32
    %dma_start3A_69 = tpu.memref_slice %arg2[%add3A_5, %dma_start3A_68] : memref<64x16384xf32, #tpu.memory_space<hbm>> -> memref<1x4096xf32, #tpu.memory_space<hbm>>
    %dma_start3A_70 = tpu.memref_squeeze %dma_start3A_69 : memref<1x4096xf32, #tpu.memory_space<hbm>> -> memref<4096xf32, #tpu.memory_space<hbm>>
    tpu.enqueue_dma source(%dma_start3A_70 : memref<4096xf32, #tpu.memory_space<hbm>>) target(%dma_start3A_67 : memref<4096xf32, #tpu.memory_space<vmem>>) target_semaphore(%arg12 : memref<!tpu.dma_semaphore, #tpu.memory_space<semaphore_mem>>)
    %dma_wait3A_71 = arith.constant 1 : i32
    %dma_wait3A_72 = arith.constant 0 : i32
    %dma_wait3A_73 = tpu.memref_slice %arg8[%dma_wait3A_71, %dma_wait3A_72] : memref<2x4096xf32, #tpu.memory_space<vmem>> -> memref<1x4096xf32, #tpu.memory_space<vmem>>
    %dma_wait3A_74 = tpu.memref_squeeze %dma_wait3A_73 : memref<1x4096xf32, #tpu.memory_space<vmem>> -> memref<4096xf32, #tpu.memory_space<vmem>>
    %dma_wait3A_75 = arith.constant 0 : i32
    %dma_wait3A_76 = tpu.memref_slice %arg3[%dma_wait3A_75] : memref<16384xi32, #tpu.memory_space<hbm>> -> memref<4096xi32, #tpu.memory_space<hbm>>
    %dma_wait3A_77 = arith.constant 0 : i32
    %dma_wait3A_78 = tpu.memref_slice %arg8[%dma_wait3A_71, %dma_wait3A_77] : memref<2x4096xf32, #tpu.memory_space<vmem>> -> memref<1x4096xf32, #tpu.memory_space<vmem>>
    %dma_wait3A_79 = tpu.memref_squeeze %dma_wait3A_78 : memref<1x4096xf32, #tpu.memory_space<vmem>> -> memref<4096xf32, #tpu.memory_space<vmem>>
    %dma_wait3A_80 = arith.constant 0 : i32
    %dma_wait3A_81 = tpu.memref_slice %arg3[%dma_wait3A_80] : memref<16384xi32, #tpu.memory_space<hbm>> -> memref<4096xi32, #tpu.memory_space<hbm>>
    tpu.wait_dma2 semaphore(%arg13 : memref<!tpu.dma_semaphore, #tpu.memory_space<semaphore_mem>>) src(%dma_wait3A_81 : memref<4096xi32, #tpu.memory_space<hbm>>) dst(%dma_wait3A_79 : memref<4096xf32, #tpu.memory_space<vmem>>)
    %scan3A_82 = arith.constant 0 : i32
    %scan3A_83 = arith.constant 128 : i32
    %scan3A_84 = arith.addi %scan3A_82, %scan3A_83 : i32
    %scan3A_85 = arith.constant 1 : i32
    %scan3A_86:2 = scf.for %scan3A_276 = %scan3A_82 to %scan3A_84 step %scan3A_85 iter_args(%scan3A_277 = %scan3A_56#0, %scan3A_278 = %scan3A_56#1) -> (vector<16xf32>, vector<16xf32>)  : i32 {
      %mul3A_279 = arith.constant 32 : i32
      %mul3A_280 = arith.muli %mul3A_279, %scan3A_276 : i32
      %add3A_281 = arith.constant 4096 : i32
      %add3A_282 = arith.addi %add3A_281, %mul3A_280 : i32
      %get3A = arith.index_cast %add3A_282 : i32 to index
      %get3A_283 = tpu.vector_load %arg7[%get3A] {strides = array<i32>} : memref<16384xi32, #tpu.memory_space<vmem>>, vector<16xi32>,
      %mul3A_284 = arith.constant 32 : i32
      %mul3A_285 = arith.muli %mul3A_284, %scan3A_276 : i32
      %add3A_286 = arith.constant 4096 : i32
      %add3A_287 = arith.addi %add3A_286, %mul3A_285 : i32
      %add3A_288 = arith.constant 16 : i32
      %add3A_289 = arith.addi %add3A_287, %add3A_288 : i32
      %get3A_290 = arith.index_cast %add3A_289 : i32 to index
      %get3A_291 = tpu.vector_load %arg7[%get3A_290] {strides = array<i32>} : memref<16384xi32, #tpu.memory_space<vmem>>, vector<16xi32>,
      %gather3A = tpu.vector_load_idx %arg6[%get3A_283] : memref<100000xf32, #tpu.memory_space<vmem>>[vector<16xi32>], vector<16xf32>,
      %gather3A_292 = tpu.vector_load_idx %arg6[%get3A_291] : memref<100000xf32, #tpu.memory_space<vmem>>[vector<16xi32>], vector<16xf32>,
      %mul3A_293 = arith.constant 32 : i32
      %mul3A_294 = arith.muli %mul3A_293, %scan3A_276 : i32
      %get3A_295 = arith.constant 1 : i32
      %get3A_296 = arith.index_cast %get3A_295 : i32 to index
      %get3A_297 = arith.index_cast %mul3A_294 : i32 to index
      %get3A_298 = tpu.vector_load %arg8[%get3A_296, %get3A_297] {strides = array<i32>} : memref<2x4096xf32, #tpu.memory_space<vmem>>, vector<16xf32>,
      %sub3A = arith.subf %get3A_298, %gather3A : vector<16xf32>
      %mul3A_299 = arith.constant 32 : i32
      %mul3A_300 = arith.muli %mul3A_299, %scan3A_276 : i32
      %add3A_301 = arith.constant 16 : i32
      %add3A_302 = arith.addi %mul3A_300, %add3A_301 : i32
      %get3A_303 = arith.constant 1 : i32
      %get3A_304 = arith.index_cast %get3A_303 : i32 to index
      %get3A_305 = arith.index_cast %add3A_302 : i32 to index
      %get3A_306 = tpu.vector_load %arg8[%get3A_304, %get3A_305] {strides = array<i32>} : memref<2x4096xf32, #tpu.memory_space<vmem>>, vector<16xf32>,
      %sub3A_307 = arith.subf %get3A_306, %gather3A_292 : vector<16xf32>
      %mul3A_308 = arith.mulf %sub3A, %sub3A : vector<16xf32>
      %add3A_309 = arith.addf %scan3A_277, %mul3A_308 : vector<16xf32>
      %mul3A_310 = arith.mulf %sub3A_307, %sub3A_307 : vector<16xf32>
      %add3A_311 = arith.addf %scan3A_278, %mul3A_310 : vector<16xf32>
      scf.yield %add3A_309, %add3A_311 : vector<16xf32>, vector<16xf32>
    }
    %scan3A_87 = arith.constant 128 : i32
    %dma_start3A_88 = arith.constant 1 : i32
    %dma_start3A_89 = arith.constant 0 : i32
    %dma_start3A_90 = tpu.memref_slice %arg8[%dma_start3A_88, %dma_start3A_89] : memref<2x4096xf32, #tpu.memory_space<vmem>> -> memref<1x4096xf32, #tpu.memory_space<vmem>>
    %dma_start3A_91 = tpu.memref_squeeze %dma_start3A_90 : memref<1x4096xf32, #tpu.memory_space<vmem>> -> memref<4096xf32, #tpu.memory_space<vmem>>
    %dma_start3A_92 = arith.constant 12288 : i32
    %dma_start3A_93 = tpu.memref_slice %arg2[%add3A_5, %dma_start3A_92] : memref<64x16384xf32, #tpu.memory_space<hbm>> -> memref<1x4096xf32, #tpu.memory_space<hbm>>
    %dma_start3A_94 = tpu.memref_squeeze %dma_start3A_93 : memref<1x4096xf32, #tpu.memory_space<hbm>> -> memref<4096xf32, #tpu.memory_space<hbm>>
    %dma_start3A_95 = arith.constant 0 : i32
    %dma_start3A_96 = tpu.memref_slice %arg8[%dma_start3A_88, %dma_start3A_95] : memref<2x4096xf32, #tpu.memory_space<vmem>> -> memref<1x4096xf32, #tpu.memory_space<vmem>>
    %dma_start3A_97 = tpu.memref_squeeze %dma_start3A_96 : memref<1x4096xf32, #tpu.memory_space<vmem>> -> memref<4096xf32, #tpu.memory_space<vmem>>
    %dma_start3A_98 = arith.constant 12288 : i32
    %dma_start3A_99 = tpu.memref_slice %arg2[%add3A_5, %dma_start3A_98] : memref<64x16384xf32, #tpu.memory_space<hbm>> -> memref<1x4096xf32, #tpu.memory_space<hbm>>
    %dma_start3A_100 = tpu.memref_squeeze %dma_start3A_99 : memref<1x4096xf32, #tpu.memory_space<hbm>> -> memref<4096xf32, #tpu.memory_space<hbm>>
    tpu.enqueue_dma source(%dma_start3A_100 : memref<4096xf32, #tpu.memory_space<hbm>>) target(%dma_start3A_97 : memref<4096xf32, #tpu.memory_space<vmem>>) target_semaphore(%arg13 : memref<!tpu.dma_semaphore, #tpu.memory_space<semaphore_mem>>)
    %dma_wait3A_101 = arith.constant 0 : i32
    %dma_wait3A_102 = arith.constant 0 : i32
    %dma_wait3A_103 = tpu.memref_slice %arg8[%dma_wait3A_101, %dma_wait3A_102] : memref<2x4096xf32, #tpu.memory_space<vmem>> -> memref<1x4096xf32, #tpu.memory_space<vmem>>
    %dma_wait3A_104 = tpu.memref_squeeze %dma_wait3A_103 : memref<1x4096xf32, #tpu.memory_space<vmem>> -> memref<4096xf32, #tpu.memory_space<vmem>>
    %dma_wait3A_105 = arith.constant 0 : i32
    %dma_wait3A_106 = tpu.memref_slice %arg3[%dma_wait3A_105] : memref<16384xi32, #tpu.memory_space<hbm>> -> memref<4096xi32, #tpu.memory_space<hbm>>
    %dma_wait3A_107 = arith.constant 0 : i32
    %dma_wait3A_108 = tpu.memref_slice %arg8[%dma_wait3A_101, %dma_wait3A_107] : memref<2x4096xf32, #tpu.memory_space<vmem>> -> memref<1x4096xf32, #tpu.memory_space<vmem>>
    %dma_wait3A_109 = tpu.memref_squeeze %dma_wait3A_108 : memref<1x4096xf32, #tpu.memory_space<vmem>> -> memref<4096xf32, #tpu.memory_space<vmem>>
    %dma_wait3A_110 = arith.constant 0 : i32
    %dma_wait3A_111 = tpu.memref_slice %arg3[%dma_wait3A_110] : memref<16384xi32, #tpu.memory_space<hbm>> -> memref<4096xi32, #tpu.memory_space<hbm>>
    tpu.wait_dma2 semaphore(%arg12 : memref<!tpu.dma_semaphore, #tpu.memory_space<semaphore_mem>>) src(%dma_wait3A_111 : memref<4096xi32, #tpu.memory_space<hbm>>) dst(%dma_wait3A_109 : memref<4096xf32, #tpu.memory_space<vmem>>)
    %scan3A_112 = arith.constant 0 : i32
    %scan3A_113 = arith.constant 128 : i32
    %scan3A_114 = arith.addi %scan3A_112, %scan3A_113 : i32
    %scan3A_115 = arith.constant 1 : i32
    %scan3A_116:2 = scf.for %scan3A_276 = %scan3A_112 to %scan3A_114 step %scan3A_115 iter_args(%scan3A_277 = %scan3A_86#0, %scan3A_278 = %scan3A_86#1) -> (vector<16xf32>, vector<16xf32>)  : i32 {
      %mul3A_279 = arith.constant 32 : i32
      %mul3A_280 = arith.muli %mul3A_279, %scan3A_276 : i32
      %add3A_281 = arith.constant 8192 : i32
      %add3A_282 = arith.addi %add3A_281, %mul3A_280 : i32
      %get3A = arith.index_cast %add3A_282 : i32 to index
      %get3A_283 = tpu.vector_load %arg7[%get3A] {strides = array<i32>} : memref<16384xi32, #tpu.memory_space<vmem>>, vector<16xi32>,
      %mul3A_284 = arith.constant 32 : i32
      %mul3A_285 = arith.muli %mul3A_284, %scan3A_276 : i32
      %add3A_286 = arith.constant 8192 : i32
      %add3A_287 = arith.addi %add3A_286, %mul3A_285 : i32
      %add3A_288 = arith.constant 16 : i32
      %add3A_289 = arith.addi %add3A_287, %add3A_288 : i32
      %get3A_290 = arith.index_cast %add3A_289 : i32 to index
      %get3A_291 = tpu.vector_load %arg7[%get3A_290] {strides = array<i32>} : memref<16384xi32, #tpu.memory_space<vmem>>, vector<16xi32>,
      %gather3A = tpu.vector_load_idx %arg6[%get3A_283] : memref<100000xf32, #tpu.memory_space<vmem>>[vector<16xi32>], vector<16xf32>,
      %gather3A_292 = tpu.vector_load_idx %arg6[%get3A_291] : memref<100000xf32, #tpu.memory_space<vmem>>[vector<16xi32>], vector<16xf32>,
      %mul3A_293 = arith.constant 32 : i32
      %mul3A_294 = arith.muli %mul3A_293, %scan3A_276 : i32
      %get3A_295 = arith.constant 0 : i32
      %get3A_296 = arith.index_cast %get3A_295 : i32 to index
      %get3A_297 = arith.index_cast %mul3A_294 : i32 to index
      %get3A_298 = tpu.vector_load %arg8[%get3A_296, %get3A_297] {strides = array<i32>} : memref<2x4096xf32, #tpu.memory_space<vmem>>, vector<16xf32>,
      %sub3A = arith.subf %get3A_298, %gather3A : vector<16xf32>
      %mul3A_299 = arith.constant 32 : i32
      %mul3A_300 = arith.muli %mul3A_299, %scan3A_276 : i32
      %add3A_301 = arith.constant 16 : i32
      %add3A_302 = arith.addi %mul3A_300, %add3A_301 : i32
      %get3A_303 = arith.constant 0 : i32
      %get3A_304 = arith.index_cast %get3A_303 : i32 to index
      %get3A_305 = arith.index_cast %add3A_302 : i32 to index
      %get3A_306 = tpu.vector_load %arg8[%get3A_304, %get3A_305] {strides = array<i32>} : memref<2x4096xf32, #tpu.memory_space<vmem>>, vector<16xf32>,
      %sub3A_307 = arith.subf %get3A_306, %gather3A_292 : vector<16xf32>
      %mul3A_308 = arith.mulf %sub3A, %sub3A : vector<16xf32>
      %add3A_309 = arith.addf %scan3A_277, %mul3A_308 : vector<16xf32>
      %mul3A_310 = arith.mulf %sub3A_307, %sub3A_307 : vector<16xf32>
      %add3A_311 = arith.addf %scan3A_278, %mul3A_310 : vector<16xf32>
      scf.yield %add3A_309, %add3A_311 : vector<16xf32>, vector<16xf32>
    }
    %scan3A_117 = arith.constant 128 : i32
    %dma_wait3A_118 = arith.constant 1 : i32
    %dma_wait3A_119 = arith.constant 0 : i32
    %dma_wait3A_120 = tpu.memref_slice %arg8[%dma_wait3A_118, %dma_wait3A_119] : memref<2x4096xf32, #tpu.memory_space<vmem>> -> memref<1x4096xf32, #tpu.memory_space<vmem>>
    %dma_wait3A_121 = tpu.memref_squeeze %dma_wait3A_120 : memref<1x4096xf32, #tpu.memory_space<vmem>> -> memref<4096xf32, #tpu.memory_space<vmem>>
    %dma_wait3A_122 = arith.constant 0 : i32
    %dma_wait3A_123 = tpu.memref_slice %arg3[%dma_wait3A_122] : memref<16384xi32, #tpu.memory_space<hbm>> -> memref<4096xi32, #tpu.memory_space<hbm>>
    %dma_wait3A_124 = arith.constant 0 : i32
    %dma_wait3A_125 = tpu.memref_slice %arg8[%dma_wait3A_118, %dma_wait3A_124] : memref<2x4096xf32, #tpu.memory_space<vmem>> -> memref<1x4096xf32, #tpu.memory_space<vmem>>
    %dma_wait3A_126 = tpu.memref_squeeze %dma_wait3A_125 : memref<1x4096xf32, #tpu.memory_space<vmem>> -> memref<4096xf32, #tpu.memory_space<vmem>>
    %dma_wait3A_127 = arith.constant 0 : i32
    %dma_wait3A_128 = tpu.memref_slice %arg3[%dma_wait3A_127] : memref<16384xi32, #tpu.memory_space<hbm>> -> memref<4096xi32, #tpu.memory_space<hbm>>
    tpu.wait_dma2 semaphore(%arg13 : memref<!tpu.dma_semaphore, #tpu.memory_space<semaphore_mem>>) src(%dma_wait3A_128 : memref<4096xi32, #tpu.memory_space<hbm>>) dst(%dma_wait3A_126 : memref<4096xf32, #tpu.memory_space<vmem>>)
    %scan3A_129 = arith.constant 0 : i32
    %scan3A_130 = arith.constant 128 : i32
    %scan3A_131 = arith.addi %scan3A_129, %scan3A_130 : i32
    %scan3A_132 = arith.constant 1 : i32
    %scan3A_133:2 = scf.for %scan3A_276 = %scan3A_129 to %scan3A_131 step %scan3A_132 iter_args(%scan3A_277 = %scan3A_116#0, %scan3A_278 = %scan3A_116#1) -> (vector<16xf32>, vector<16xf32>)  : i32 {
      %mul3A_279 = arith.constant 32 : i32
      %mul3A_280 = arith.muli %mul3A_279, %scan3A_276 : i32
      %add3A_281 = arith.constant 12288 : i32
      %add3A_282 = arith.addi %add3A_281, %mul3A_280 : i32
      %get3A = arith.index_cast %add3A_282 : i32 to index
      %get3A_283 = tpu.vector_load %arg7[%get3A] {strides = array<i32>} : memref<16384xi32, #tpu.memory_space<vmem>>, vector<16xi32>,
      %mul3A_284 = arith.constant 32 : i32
      %mul3A_285 = arith.muli %mul3A_284, %scan3A_276 : i32
      %add3A_286 = arith.constant 12288 : i32
      %add3A_287 = arith.addi %add3A_286, %mul3A_285 : i32
      %add3A_288 = arith.constant 16 : i32
      %add3A_289 = arith.addi %add3A_287, %add3A_288 : i32
      %get3A_290 = arith.index_cast %add3A_289 : i32 to index
      %get3A_291 = tpu.vector_load %arg7[%get3A_290] {strides = array<i32>} : memref<16384xi32, #tpu.memory_space<vmem>>, vector<16xi32>,
      %gather3A = tpu.vector_load_idx %arg6[%get3A_283] : memref<100000xf32, #tpu.memory_space<vmem>>[vector<16xi32>], vector<16xf32>,
      %gather3A_292 = tpu.vector_load_idx %arg6[%get3A_291] : memref<100000xf32, #tpu.memory_space<vmem>>[vector<16xi32>], vector<16xf32>,
      %mul3A_293 = arith.constant 32 : i32
      %mul3A_294 = arith.muli %mul3A_293, %scan3A_276 : i32
      %get3A_295 = arith.constant 1 : i32
      %get3A_296 = arith.index_cast %get3A_295 : i32 to index
      %get3A_297 = arith.index_cast %mul3A_294 : i32 to index
      %get3A_298 = tpu.vector_load %arg8[%get3A_296, %get3A_297] {strides = array<i32>} : memref<2x4096xf32, #tpu.memory_space<vmem>>, vector<16xf32>,
      %sub3A = arith.subf %get3A_298, %gather3A : vector<16xf32>
      %mul3A_299 = arith.constant 32 : i32
      %mul3A_300 = arith.muli %mul3A_299, %scan3A_276 : i32
      %add3A_301 = arith.constant 16 : i32
      %add3A_302 = arith.addi %mul3A_300, %add3A_301 : i32
      %get3A_303 = arith.constant 1 : i32
      %get3A_304 = arith.index_cast %get3A_303 : i32 to index
      %get3A_305 = arith.index_cast %add3A_302 : i32 to index
      %get3A_306 = tpu.vector_load %arg8[%get3A_304, %get3A_305] {strides = array<i32>} : memref<2x4096xf32, #tpu.memory_space<vmem>>, vector<16xf32>,
      %sub3A_307 = arith.subf %get3A_306, %gather3A_292 : vector<16xf32>
      %mul3A_308 = arith.mulf %sub3A, %sub3A : vector<16xf32>
      %add3A_309 = arith.addf %scan3A_277, %mul3A_308 : vector<16xf32>
      %mul3A_310 = arith.mulf %sub3A_307, %sub3A_307 : vector<16xf32>
      %add3A_311 = arith.addf %scan3A_278, %mul3A_310 : vector<16xf32>
      scf.yield %add3A_309, %add3A_311 : vector<16xf32>, vector<16xf32>
    }
    %scan3A_134 = arith.constant 128 : i32
    %mul3A_135 = arith.constant 2 : i32
    %mul3A_136 = arith.muli %add3A, %mul3A_135 : i32
    %add3A_137 = arith.constant 1 : i32
    %add3A_138 = arith.addi %mul3A_136, %add3A_137 : i32
    %dma_start3A_139 = arith.constant 0 : i32
    %dma_start3A_140 = tpu.memref_slice %arg4[%add3A_138, %dma_start3A_139] : memref<64x100000xf32, #tpu.memory_space<hbm>> -> memref<1x100000xf32, #tpu.memory_space<hbm>>
    %dma_start3A_141 = tpu.memref_squeeze %dma_start3A_140 : memref<1x100000xf32, #tpu.memory_space<hbm>> -> memref<100000xf32, #tpu.memory_space<hbm>>
    %dma_start3A_142 = arith.constant 0 : i32
    %dma_start3A_143 = tpu.memref_slice %arg4[%add3A_138, %dma_start3A_142] : memref<64x100000xf32, #tpu.memory_space<hbm>> -> memref<1x100000xf32, #tpu.memory_space<hbm>>
    %dma_start3A_144 = tpu.memref_squeeze %dma_start3A_143 : memref<1x100000xf32, #tpu.memory_space<hbm>> -> memref<100000xf32, #tpu.memory_space<hbm>>
    tpu.enqueue_dma source(%dma_start3A_144 : memref<100000xf32, #tpu.memory_space<hbm>>) target(%arg6 : memref<100000xf32, #tpu.memory_space<vmem>>) target_semaphore(%arg10 : memref<!tpu.dma_semaphore, #tpu.memory_space<semaphore_mem>>)
    %dma_start3A_145 = arith.constant 0 : i32
    %dma_start3A_146 = arith.constant 0 : i32
    %dma_start3A_147 = tpu.memref_slice %arg8[%dma_start3A_145, %dma_start3A_146] : memref<2x4096xf32, #tpu.memory_space<vmem>> -> memref<1x4096xf32, #tpu.memory_space<vmem>>
    %dma_start3A_148 = tpu.memref_squeeze %dma_start3A_147 : memref<1x4096xf32, #tpu.memory_space<vmem>> -> memref<4096xf32, #tpu.memory_space<vmem>>
    %dma_start3A_149 = arith.constant 0 : i32
    %dma_start3A_150 = tpu.memref_slice %arg2[%add3A_138, %dma_start3A_149] : memref<64x16384xf32, #tpu.memory_space<hbm>> -> memref<1x4096xf32, #tpu.memory_space<hbm>>
    %dma_start3A_151 = tpu.memref_squeeze %dma_start3A_150 : memref<1x4096xf32, #tpu.memory_space<hbm>> -> memref<4096xf32, #tpu.memory_space<hbm>>
    %dma_start3A_152 = arith.constant 0 : i32
    %dma_start3A_153 = tpu.memref_slice %arg8[%dma_start3A_145, %dma_start3A_152] : memref<2x4096xf32, #tpu.memory_space<vmem>> -> memref<1x4096xf32, #tpu.memory_space<vmem>>
    %dma_start3A_154 = tpu.memref_squeeze %dma_start3A_153 : memref<1x4096xf32, #tpu.memory_space<vmem>> -> memref<4096xf32, #tpu.memory_space<vmem>>
    %dma_start3A_155 = arith.constant 0 : i32
    %dma_start3A_156 = tpu.memref_slice %arg2[%add3A_138, %dma_start3A_155] : memref<64x16384xf32, #tpu.memory_space<hbm>> -> memref<1x4096xf32, #tpu.memory_space<hbm>>
    %dma_start3A_157 = tpu.memref_squeeze %dma_start3A_156 : memref<1x4096xf32, #tpu.memory_space<hbm>> -> memref<4096xf32, #tpu.memory_space<hbm>>
    tpu.enqueue_dma source(%dma_start3A_157 : memref<4096xf32, #tpu.memory_space<hbm>>) target(%dma_start3A_154 : memref<4096xf32, #tpu.memory_space<vmem>>) target_semaphore(%arg12 : memref<!tpu.dma_semaphore, #tpu.memory_space<semaphore_mem>>)
    %dma_wait3A_158 = arith.constant 0 : i32
    %dma_wait3A_159 = tpu.memref_slice %arg4[%add3A_138, %dma_wait3A_158] : memref<64x100000xf32, #tpu.memory_space<hbm>> -> memref<1x100000xf32, #tpu.memory_space<hbm>>
    %dma_wait3A_160 = tpu.memref_squeeze %dma_wait3A_159 : memref<1x100000xf32, #tpu.memory_space<hbm>> -> memref<100000xf32, #tpu.memory_space<hbm>>
    %dma_wait3A_161 = arith.constant 0 : i32
    %dma_wait3A_162 = tpu.memref_slice %arg4[%add3A_138, %dma_wait3A_161] : memref<64x100000xf32, #tpu.memory_space<hbm>> -> memref<1x100000xf32, #tpu.memory_space<hbm>>
    %dma_wait3A_163 = tpu.memref_squeeze %dma_wait3A_162 : memref<1x100000xf32, #tpu.memory_space<hbm>> -> memref<100000xf32, #tpu.memory_space<hbm>>
    tpu.wait_dma2 semaphore(%arg10 : memref<!tpu.dma_semaphore, #tpu.memory_space<semaphore_mem>>) src(%dma_wait3A_163 : memref<100000xf32, #tpu.memory_space<hbm>>) dst(%arg6 : memref<100000xf32, #tpu.memory_space<vmem>>)
    %dma_start3A_164 = arith.constant 1 : i32
    %dma_start3A_165 = arith.constant 0 : i32
    %dma_start3A_166 = tpu.memref_slice %arg8[%dma_start3A_164, %dma_start3A_165] : memref<2x4096xf32, #tpu.memory_space<vmem>> -> memref<1x4096xf32, #tpu.memory_space<vmem>>
    %dma_start3A_167 = tpu.memref_squeeze %dma_start3A_166 : memref<1x4096xf32, #tpu.memory_space<vmem>> -> memref<4096xf32, #tpu.memory_space<vmem>>
    %dma_start3A_168 = arith.constant 4096 : i32
    %dma_start3A_169 = tpu.memref_slice %arg2[%add3A_138, %dma_start3A_168] : memref<64x16384xf32, #tpu.memory_space<hbm>> -> memref<1x4096xf32, #tpu.memory_space<hbm>>
    %dma_start3A_170 = tpu.memref_squeeze %dma_start3A_169 : memref<1x4096xf32, #tpu.memory_space<hbm>> -> memref<4096xf32, #tpu.memory_space<hbm>>
    %dma_start3A_171 = arith.constant 0 : i32
    %dma_start3A_172 = tpu.memref_slice %arg8[%dma_start3A_164, %dma_start3A_171] : memref<2x4096xf32, #tpu.memory_space<vmem>> -> memref<1x4096xf32, #tpu.memory_space<vmem>>
    %dma_start3A_173 = tpu.memref_squeeze %dma_start3A_172 : memref<1x4096xf32, #tpu.memory_space<vmem>> -> memref<4096xf32, #tpu.memory_space<vmem>>
    %dma_start3A_174 = arith.constant 4096 : i32
    %dma_start3A_175 = tpu.memref_slice %arg2[%add3A_138, %dma_start3A_174] : memref<64x16384xf32, #tpu.memory_space<hbm>> -> memref<1x4096xf32, #tpu.memory_space<hbm>>
    %dma_start3A_176 = tpu.memref_squeeze %dma_start3A_175 : memref<1x4096xf32, #tpu.memory_space<hbm>> -> memref<4096xf32, #tpu.memory_space<hbm>>
    tpu.enqueue_dma source(%dma_start3A_176 : memref<4096xf32, #tpu.memory_space<hbm>>) target(%dma_start3A_173 : memref<4096xf32, #tpu.memory_space<vmem>>) target_semaphore(%arg13 : memref<!tpu.dma_semaphore, #tpu.memory_space<semaphore_mem>>)
    %dma_wait3A_177 = arith.constant 0 : i32
    %dma_wait3A_178 = arith.constant 0 : i32
    %dma_wait3A_179 = tpu.memref_slice %arg8[%dma_wait3A_177, %dma_wait3A_178] : memref<2x4096xf32, #tpu.memory_space<vmem>> -> memref<1x4096xf32, #tpu.memory_space<vmem>>
    %dma_wait3A_180 = tpu.memref_squeeze %dma_wait3A_179 : memref<1x4096xf32, #tpu.memory_space<vmem>> -> memref<4096xf32, #tpu.memory_space<vmem>>
    %dma_wait3A_181 = arith.constant 0 : i32
    %dma_wait3A_182 = tpu.memref_slice %arg3[%dma_wait3A_181] : memref<16384xi32, #tpu.memory_space<hbm>> -> memref<4096xi32, #tpu.memory_space<hbm>>
    %dma_wait3A_183 = arith.constant 0 : i32
    %dma_wait3A_184 = tpu.memref_slice %arg8[%dma_wait3A_177, %dma_wait3A_183] : memref<2x4096xf32, #tpu.memory_space<vmem>> -> memref<1x4096xf32, #tpu.memory_space<vmem>>
    %dma_wait3A_185 = tpu.memref_squeeze %dma_wait3A_184 : memref<1x4096xf32, #tpu.memory_space<vmem>> -> memref<4096xf32, #tpu.memory_space<vmem>>
    %dma_wait3A_186 = arith.constant 0 : i32
    %dma_wait3A_187 = tpu.memref_slice %arg3[%dma_wait3A_186] : memref<16384xi32, #tpu.memory_space<hbm>> -> memref<4096xi32, #tpu.memory_space<hbm>>
    tpu.wait_dma2 semaphore(%arg12 : memref<!tpu.dma_semaphore, #tpu.memory_space<semaphore_mem>>) src(%dma_wait3A_187 : memref<4096xi32, #tpu.memory_space<hbm>>) dst(%dma_wait3A_185 : memref<4096xf32, #tpu.memory_space<vmem>>)
    %scan3A_188 = arith.constant 0 : i32
    %scan3A_189 = arith.constant 128 : i32
    %scan3A_190 = arith.addi %scan3A_188, %scan3A_189 : i32
    %scan3A_191 = arith.constant 1 : i32
    %scan3A_192:2 = scf.for %scan3A_276 = %scan3A_188 to %scan3A_190 step %scan3A_191 iter_args(%scan3A_277 = %scan3A_133#0, %scan3A_278 = %scan3A_133#1) -> (vector<16xf32>, vector<16xf32>)  : i32 {
      %mul3A_279 = arith.constant 32 : i32
      %mul3A_280 = arith.muli %mul3A_279, %scan3A_276 : i32
      %add3A_281 = arith.constant 0 : i32
      %add3A_282 = arith.addi %add3A_281, %mul3A_280 : i32
      %get3A = arith.index_cast %add3A_282 : i32 to index
      %get3A_283 = tpu.vector_load %arg7[%get3A] {strides = array<i32>} : memref<16384xi32, #tpu.memory_space<vmem>>, vector<16xi32>,
      %mul3A_284 = arith.constant 32 : i32
      %mul3A_285 = arith.muli %mul3A_284, %scan3A_276 : i32
      %add3A_286 = arith.constant 0 : i32
      %add3A_287 = arith.addi %add3A_286, %mul3A_285 : i32
      %add3A_288 = arith.constant 16 : i32
      %add3A_289 = arith.addi %add3A_287, %add3A_288 : i32
      %get3A_290 = arith.index_cast %add3A_289 : i32 to index
      %get3A_291 = tpu.vector_load %arg7[%get3A_290] {strides = array<i32>} : memref<16384xi32, #tpu.memory_space<vmem>>, vector<16xi32>,
      %gather3A = tpu.vector_load_idx %arg6[%get3A_283] : memref<100000xf32, #tpu.memory_space<vmem>>[vector<16xi32>], vector<16xf32>,
      %gather3A_292 = tpu.vector_load_idx %arg6[%get3A_291] : memref<100000xf32, #tpu.memory_space<vmem>>[vector<16xi32>], vector<16xf32>,
      %mul3A_293 = arith.constant 32 : i32
      %mul3A_294 = arith.muli %mul3A_293, %scan3A_276 : i32
      %get3A_295 = arith.constant 0 : i32
      %get3A_296 = arith.index_cast %get3A_295 : i32 to index
      %get3A_297 = arith.index_cast %mul3A_294 : i32 to index
      %get3A_298 = tpu.vector_load %arg8[%get3A_296, %get3A_297] {strides = array<i32>} : memref<2x4096xf32, #tpu.memory_space<vmem>>, vector<16xf32>,
      %sub3A = arith.subf %get3A_298, %gather3A : vector<16xf32>
      %mul3A_299 = arith.constant 32 : i32
      %mul3A_300 = arith.muli %mul3A_299, %scan3A_276 : i32
      %add3A_301 = arith.constant 16 : i32
      %add3A_302 = arith.addi %mul3A_300, %add3A_301 : i32
      %get3A_303 = arith.constant 0 : i32
      %get3A_304 = arith.index_cast %get3A_303 : i32 to index
      %get3A_305 = arith.index_cast %add3A_302 : i32 to index
      %get3A_306 = tpu.vector_load %arg8[%get3A_304, %get3A_305] {strides = array<i32>} : memref<2x4096xf32, #tpu.memory_space<vmem>>, vector<16xf32>,
      %sub3A_307 = arith.subf %get3A_306, %gather3A_292 : vector<16xf32>
      %mul3A_308 = arith.mulf %sub3A, %sub3A : vector<16xf32>
      %add3A_309 = arith.addf %scan3A_277, %mul3A_308 : vector<16xf32>
      %mul3A_310 = arith.mulf %sub3A_307, %sub3A_307 : vector<16xf32>
      %add3A_311 = arith.addf %scan3A_278, %mul3A_310 : vector<16xf32>
      scf.yield %add3A_309, %add3A_311 : vector<16xf32>, vector<16xf32>
    }
    %scan3A_193 = arith.constant 128 : i32
    %dma_start3A_194 = arith.constant 0 : i32
    %dma_start3A_195 = arith.constant 0 : i32
    %dma_start3A_196 = tpu.memref_slice %arg8[%dma_start3A_194, %dma_start3A_195] : memref<2x4096xf32, #tpu.memory_space<vmem>> -> memref<1x4096xf32, #tpu.memory_space<vmem>>
    %dma_start3A_197 = tpu.memref_squeeze %dma_start3A_196 : memref<1x4096xf32, #tpu.memory_space<vmem>> -> memref<4096xf32, #tpu.memory_space<vmem>>
    %dma_start3A_198 = arith.constant 8192 : i32
    %dma_start3A_199 = tpu.memref_slice %arg2[%add3A_138, %dma_start3A_198] : memref<64x16384xf32, #tpu.memory_space<hbm>> -> memref<1x4096xf32, #tpu.memory_space<hbm>>
    %dma_start3A_200 = tpu.memref_squeeze %dma_start3A_199 : memref<1x4096xf32, #tpu.memory_space<hbm>> -> memref<4096xf32, #tpu.memory_space<hbm>>
    %dma_start3A_201 = arith.constant 0 : i32
    %dma_start3A_202 = tpu.memref_slice %arg8[%dma_start3A_194, %dma_start3A_201] : memref<2x4096xf32, #tpu.memory_space<vmem>> -> memref<1x4096xf32, #tpu.memory_space<vmem>>
    %dma_start3A_203 = tpu.memref_squeeze %dma_start3A_202 : memref<1x4096xf32, #tpu.memory_space<vmem>> -> memref<4096xf32, #tpu.memory_space<vmem>>
    %dma_start3A_204 = arith.constant 8192 : i32
    %dma_start3A_205 = tpu.memref_slice %arg2[%add3A_138, %dma_start3A_204] : memref<64x16384xf32, #tpu.memory_space<hbm>> -> memref<1x4096xf32, #tpu.memory_space<hbm>>
    %dma_start3A_206 = tpu.memref_squeeze %dma_start3A_205 : memref<1x4096xf32, #tpu.memory_space<hbm>> -> memref<4096xf32, #tpu.memory_space<hbm>>
    tpu.enqueue_dma source(%dma_start3A_206 : memref<4096xf32, #tpu.memory_space<hbm>>) target(%dma_start3A_203 : memref<4096xf32, #tpu.memory_space<vmem>>) target_semaphore(%arg12 : memref<!tpu.dma_semaphore, #tpu.memory_space<semaphore_mem>>)
    %dma_wait3A_207 = arith.constant 1 : i32
    %dma_wait3A_208 = arith.constant 0 : i32
    %dma_wait3A_209 = tpu.memref_slice %arg8[%dma_wait3A_207, %dma_wait3A_208] : memref<2x4096xf32, #tpu.memory_space<vmem>> -> memref<1x4096xf32, #tpu.memory_space<vmem>>
    %dma_wait3A_210 = tpu.memref_squeeze %dma_wait3A_209 : memref<1x4096xf32, #tpu.memory_space<vmem>> -> memref<4096xf32, #tpu.memory_space<vmem>>
    %dma_wait3A_211 = arith.constant 0 : i32
    %dma_wait3A_212 = tpu.memref_slice %arg3[%dma_wait3A_211] : memref<16384xi32, #tpu.memory_space<hbm>> -> memref<4096xi32, #tpu.memory_space<hbm>>
    %dma_wait3A_213 = arith.constant 0 : i32
    %dma_wait3A_214 = tpu.memref_slice %arg8[%dma_wait3A_207, %dma_wait3A_213] : memref<2x4096xf32, #tpu.memory_space<vmem>> -> memref<1x4096xf32, #tpu.memory_space<vmem>>
    %dma_wait3A_215 = tpu.memref_squeeze %dma_wait3A_214 : memref<1x4096xf32, #tpu.memory_space<vmem>> -> memref<4096xf32, #tpu.memory_space<vmem>>
    %dma_wait3A_216 = arith.constant 0 : i32
    %dma_wait3A_217 = tpu.memref_slice %arg3[%dma_wait3A_216] : memref<16384xi32, #tpu.memory_space<hbm>> -> memref<4096xi32, #tpu.memory_space<hbm>>
    tpu.wait_dma2 semaphore(%arg13 : memref<!tpu.dma_semaphore, #tpu.memory_space<semaphore_mem>>) src(%dma_wait3A_217 : memref<4096xi32, #tpu.memory_space<hbm>>) dst(%dma_wait3A_215 : memref<4096xf32, #tpu.memory_space<vmem>>)
    %scan3A_218 = arith.constant 0 : i32
    %scan3A_219 = arith.constant 128 : i32
    %scan3A_220 = arith.addi %scan3A_218, %scan3A_219 : i32
    %scan3A_221 = arith.constant 1 : i32
    %scan3A_222:2 = scf.for %scan3A_276 = %scan3A_218 to %scan3A_220 step %scan3A_221 iter_args(%scan3A_277 = %scan3A_192#0, %scan3A_278 = %scan3A_192#1) -> (vector<16xf32>, vector<16xf32>)  : i32 {
      %mul3A_279 = arith.constant 32 : i32
      %mul3A_280 = arith.muli %mul3A_279, %scan3A_276 : i32
      %add3A_281 = arith.constant 4096 : i32
      %add3A_282 = arith.addi %add3A_281, %mul3A_280 : i32
      %get3A = arith.index_cast %add3A_282 : i32 to index
      %get3A_283 = tpu.vector_load %arg7[%get3A] {strides = array<i32>} : memref<16384xi32, #tpu.memory_space<vmem>>, vector<16xi32>,
      %mul3A_284 = arith.constant 32 : i32
      %mul3A_285 = arith.muli %mul3A_284, %scan3A_276 : i32
      %add3A_286 = arith.constant 4096 : i32
      %add3A_287 = arith.addi %add3A_286, %mul3A_285 : i32
      %add3A_288 = arith.constant 16 : i32
      %add3A_289 = arith.addi %add3A_287, %add3A_288 : i32
      %get3A_290 = arith.index_cast %add3A_289 : i32 to index
      %get3A_291 = tpu.vector_load %arg7[%get3A_290] {strides = array<i32>} : memref<16384xi32, #tpu.memory_space<vmem>>, vector<16xi32>,
      %gather3A = tpu.vector_load_idx %arg6[%get3A_283] : memref<100000xf32, #tpu.memory_space<vmem>>[vector<16xi32>], vector<16xf32>,
      %gather3A_292 = tpu.vector_load_idx %arg6[%get3A_291] : memref<100000xf32, #tpu.memory_space<vmem>>[vector<16xi32>], vector<16xf32>,
      %mul3A_293 = arith.constant 32 : i32
      %mul3A_294 = arith.muli %mul3A_293, %scan3A_276 : i32
      %get3A_295 = arith.constant 1 : i32
      %get3A_296 = arith.index_cast %get3A_295 : i32 to index
      %get3A_297 = arith.index_cast %mul3A_294 : i32 to index
      %get3A_298 = tpu.vector_load %arg8[%get3A_296, %get3A_297] {strides = array<i32>} : memref<2x4096xf32, #tpu.memory_space<vmem>>, vector<16xf32>,
      %sub3A = arith.subf %get3A_298, %gather3A : vector<16xf32>
      %mul3A_299 = arith.constant 32 : i32
      %mul3A_300 = arith.muli %mul3A_299, %scan3A_276 : i32
      %add3A_301 = arith.constant 16 : i32
      %add3A_302 = arith.addi %mul3A_300, %add3A_301 : i32
      %get3A_303 = arith.constant 1 : i32
      %get3A_304 = arith.index_cast %get3A_303 : i32 to index
      %get3A_305 = arith.index_cast %add3A_302 : i32 to index
      %get3A_306 = tpu.vector_load %arg8[%get3A_304, %get3A_305] {strides = array<i32>} : memref<2x4096xf32, #tpu.memory_space<vmem>>, vector<16xf32>,
      %sub3A_307 = arith.subf %get3A_306, %gather3A_292 : vector<16xf32>
      %mul3A_308 = arith.mulf %sub3A, %sub3A : vector<16xf32>
      %add3A_309 = arith.addf %scan3A_277, %mul3A_308 : vector<16xf32>
      %mul3A_310 = arith.mulf %sub3A_307, %sub3A_307 : vector<16xf32>
      %add3A_311 = arith.addf %scan3A_278, %mul3A_310 : vector<16xf32>
      scf.yield %add3A_309, %add3A_311 : vector<16xf32>, vector<16xf32>
    }
    %scan3A_223 = arith.constant 128 : i32
    %dma_start3A_224 = arith.constant 1 : i32
    %dma_start3A_225 = arith.constant 0 : i32
    %dma_start3A_226 = tpu.memref_slice %arg8[%dma_start3A_224, %dma_start3A_225] : memref<2x4096xf32, #tpu.memory_space<vmem>> -> memref<1x4096xf32, #tpu.memory_space<vmem>>
    %dma_start3A_227 = tpu.memref_squeeze %dma_start3A_226 : memref<1x4096xf32, #tpu.memory_space<vmem>> -> memref<4096xf32, #tpu.memory_space<vmem>>
    %dma_start3A_228 = arith.constant 12288 : i32
    %dma_start3A_229 = tpu.memref_slice %arg2[%add3A_138, %dma_start3A_228] : memref<64x16384xf32, #tpu.memory_space<hbm>> -> memref<1x4096xf32, #tpu.memory_space<hbm>>
    %dma_start3A_230 = tpu.memref_squeeze %dma_start3A_229 : memref<1x4096xf32, #tpu.memory_space<hbm>> -> memref<4096xf32, #tpu.memory_space<hbm>>
    %dma_start3A_231 = arith.constant 0 : i32
    %dma_start3A_232 = tpu.memref_slice %arg8[%dma_start3A_224, %dma_start3A_231] : memref<2x4096xf32, #tpu.memory_space<vmem>> -> memref<1x4096xf32, #tpu.memory_space<vmem>>
    %dma_start3A_233 = tpu.memref_squeeze %dma_start3A_232 : memref<1x4096xf32, #tpu.memory_space<vmem>> -> memref<4096xf32, #tpu.memory_space<vmem>>
    %dma_start3A_234 = arith.constant 12288 : i32
    %dma_start3A_235 = tpu.memref_slice %arg2[%add3A_138, %dma_start3A_234] : memref<64x16384xf32, #tpu.memory_space<hbm>> -> memref<1x4096xf32, #tpu.memory_space<hbm>>
    %dma_start3A_236 = tpu.memref_squeeze %dma_start3A_235 : memref<1x4096xf32, #tpu.memory_space<hbm>> -> memref<4096xf32, #tpu.memory_space<hbm>>
    tpu.enqueue_dma source(%dma_start3A_236 : memref<4096xf32, #tpu.memory_space<hbm>>) target(%dma_start3A_233 : memref<4096xf32, #tpu.memory_space<vmem>>) target_semaphore(%arg13 : memref<!tpu.dma_semaphore, #tpu.memory_space<semaphore_mem>>)
    %dma_wait3A_237 = arith.constant 0 : i32
    %dma_wait3A_238 = arith.constant 0 : i32
    %dma_wait3A_239 = tpu.memref_slice %arg8[%dma_wait3A_237, %dma_wait3A_238] : memref<2x4096xf32, #tpu.memory_space<vmem>> -> memref<1x4096xf32, #tpu.memory_space<vmem>>
    %dma_wait3A_240 = tpu.memref_squeeze %dma_wait3A_239 : memref<1x4096xf32, #tpu.memory_space<vmem>> -> memref<4096xf32, #tpu.memory_space<vmem>>
    %dma_wait3A_241 = arith.constant 0 : i32
    %dma_wait3A_242 = tpu.memref_slice %arg3[%dma_wait3A_241] : memref<16384xi32, #tpu.memory_space<hbm>> -> memref<4096xi32, #tpu.memory_space<hbm>>
    %dma_wait3A_243 = arith.constant 0 : i32
    %dma_wait3A_244 = tpu.memref_slice %arg8[%dma_wait3A_237, %dma_wait3A_243] : memref<2x4096xf32, #tpu.memory_space<vmem>> -> memref<1x4096xf32, #tpu.memory_space<vmem>>
    %dma_wait3A_245 = tpu.memref_squeeze %dma_wait3A_244 : memref<1x4096xf32, #tpu.memory_space<vmem>> -> memref<4096xf32, #tpu.memory_space<vmem>>
    %dma_wait3A_246 = arith.constant 0 : i32
    %dma_wait3A_247 = tpu.memref_slice %arg3[%dma_wait3A_246] : memref<16384xi32, #tpu.memory_space<hbm>> -> memref<4096xi32, #tpu.memory_space<hbm>>
    tpu.wait_dma2 semaphore(%arg12 : memref<!tpu.dma_semaphore, #tpu.memory_space<semaphore_mem>>) src(%dma_wait3A_247 : memref<4096xi32, #tpu.memory_space<hbm>>) dst(%dma_wait3A_245 : memref<4096xf32, #tpu.memory_space<vmem>>)
    %scan3A_248 = arith.constant 0 : i32
    %scan3A_249 = arith.constant 128 : i32
    %scan3A_250 = arith.addi %scan3A_248, %scan3A_249 : i32
    %scan3A_251 = arith.constant 1 : i32
    %scan3A_252:2 = scf.for %scan3A_276 = %scan3A_248 to %scan3A_250 step %scan3A_251 iter_args(%scan3A_277 = %scan3A_222#0, %scan3A_278 = %scan3A_222#1) -> (vector<16xf32>, vector<16xf32>)  : i32 {
      %mul3A_279 = arith.constant 32 : i32
      %mul3A_280 = arith.muli %mul3A_279, %scan3A_276 : i32
      %add3A_281 = arith.constant 8192 : i32
      %add3A_282 = arith.addi %add3A_281, %mul3A_280 : i32
      %get3A = arith.index_cast %add3A_282 : i32 to index
      %get3A_283 = tpu.vector_load %arg7[%get3A] {strides = array<i32>} : memref<16384xi32, #tpu.memory_space<vmem>>, vector<16xi32>,
      %mul3A_284 = arith.constant 32 : i32
      %mul3A_285 = arith.muli %mul3A_284, %scan3A_276 : i32
      %add3A_286 = arith.constant 8192 : i32
      %add3A_287 = arith.addi %add3A_286, %mul3A_285 : i32
      %add3A_288 = arith.constant 16 : i32
      %add3A_289 = arith.addi %add3A_287, %add3A_288 : i32
      %get3A_290 = arith.index_cast %add3A_289 : i32 to index
      %get3A_291 = tpu.vector_load %arg7[%get3A_290] {strides = array<i32>} : memref<16384xi32, #tpu.memory_space<vmem>>, vector<16xi32>,
      %gather3A = tpu.vector_load_idx %arg6[%get3A_283] : memref<100000xf32, #tpu.memory_space<vmem>>[vector<16xi32>], vector<16xf32>,
      %gather3A_292 = tpu.vector_load_idx %arg6[%get3A_291] : memref<100000xf32, #tpu.memory_space<vmem>>[vector<16xi32>], vector<16xf32>,
      %mul3A_293 = arith.constant 32 : i32
      %mul3A_294 = arith.muli %mul3A_293, %scan3A_276 : i32
      %get3A_295 = arith.constant 0 : i32
      %get3A_296 = arith.index_cast %get3A_295 : i32 to index
      %get3A_297 = arith.index_cast %mul3A_294 : i32 to index
      %get3A_298 = tpu.vector_load %arg8[%get3A_296, %get3A_297] {strides = array<i32>} : memref<2x4096xf32, #tpu.memory_space<vmem>>, vector<16xf32>,
      %sub3A = arith.subf %get3A_298, %gather3A : vector<16xf32>
      %mul3A_299 = arith.constant 32 : i32
      %mul3A_300 = arith.muli %mul3A_299, %scan3A_276 : i32
      %add3A_301 = arith.constant 16 : i32
      %add3A_302 = arith.addi %mul3A_300, %add3A_301 : i32
      %get3A_303 = arith.constant 0 : i32
      %get3A_304 = arith.index_cast %get3A_303 : i32 to index
      %get3A_305 = arith.index_cast %add3A_302 : i32 to index
      %get3A_306 = tpu.vector_load %arg8[%get3A_304, %get3A_305] {strides = array<i32>} : memref<2x4096xf32, #tpu.memory_space<vmem>>, vector<16xf32>,
      %sub3A_307 = arith.subf %get3A_306, %gather3A_292 : vector<16xf32>
      %mul3A_308 = arith.mulf %sub3A, %sub3A : vector<16xf32>
      %add3A_309 = arith.addf %scan3A_277, %mul3A_308 : vector<16xf32>
      %mul3A_310 = arith.mulf %sub3A_307, %sub3A_307 : vector<16xf32>
      %add3A_311 = arith.addf %scan3A_278, %mul3A_310 : vector<16xf32>
      scf.yield %add3A_309, %add3A_311 : vector<16xf32>, vector<16xf32>
    }
    %scan3A_253 = arith.constant 128 : i32
    %dma_wait3A_254 = arith.constant 1 : i32
    %dma_wait3A_255 = arith.constant 0 : i32
    %dma_wait3A_256 = tpu.memref_slice %arg8[%dma_wait3A_254, %dma_wait3A_255] : memref<2x4096xf32, #tpu.memory_space<vmem>> -> memref<1x4096xf32, #tpu.memory_space<vmem>>
    %dma_wait3A_257 = tpu.memref_squeeze %dma_wait3A_256 : memref<1x4096xf32, #tpu.memory_space<vmem>> -> memref<4096xf32, #tpu.memory_space<vmem>>
    %dma_wait3A_258 = arith.constant 0 : i32
    %dma_wait3A_259 = tpu.memref_slice %arg3[%dma_wait3A_258] : memref<16384xi32, #tpu.memory_space<hbm>> -> memref<4096xi32, #tpu.memory_space<hbm>>
    %dma_wait3A_260 = arith.constant 0 : i32
    %dma_wait3A_261 = tpu.memref_slice %arg8[%dma_wait3A_254, %dma_wait3A_260] : memref<2x4096xf32, #tpu.memory_space<vmem>> -> memref<1x4096xf32, #tpu.memory_space<vmem>>
    %dma_wait3A_262 = tpu.memref_squeeze %dma_wait3A_261 : memref<1x4096xf32, #tpu.memory_space<vmem>> -> memref<4096xf32, #tpu.memory_space<vmem>>
    %dma_wait3A_263 = arith.constant 0 : i32
    %dma_wait3A_264 = tpu.memref_slice %arg3[%dma_wait3A_263] : memref<16384xi32, #tpu.memory_space<hbm>> -> memref<4096xi32, #tpu.memory_space<hbm>>
    tpu.wait_dma2 semaphore(%arg13 : memref<!tpu.dma_semaphore, #tpu.memory_space<semaphore_mem>>) src(%dma_wait3A_264 : memref<4096xi32, #tpu.memory_space<hbm>>) dst(%dma_wait3A_262 : memref<4096xf32, #tpu.memory_space<vmem>>)
    %scan3A_265 = arith.constant 0 : i32
    %scan3A_266 = arith.constant 128 : i32
    %scan3A_267 = arith.addi %scan3A_265, %scan3A_266 : i32
    %scan3A_268 = arith.constant 1 : i32
    %scan3A_269:2 = scf.for %scan3A_276 = %scan3A_265 to %scan3A_267 step %scan3A_268 iter_args(%scan3A_277 = %scan3A_252#0, %scan3A_278 = %scan3A_252#1) -> (vector<16xf32>, vector<16xf32>)  : i32 {
      %mul3A_279 = arith.constant 32 : i32
      %mul3A_280 = arith.muli %mul3A_279, %scan3A_276 : i32
      %add3A_281 = arith.constant 12288 : i32
      %add3A_282 = arith.addi %add3A_281, %mul3A_280 : i32
      %get3A = arith.index_cast %add3A_282 : i32 to index
      %get3A_283 = tpu.vector_load %arg7[%get3A] {strides = array<i32>} : memref<16384xi32, #tpu.memory_space<vmem>>, vector<16xi32>,
      %mul3A_284 = arith.constant 32 : i32
      %mul3A_285 = arith.muli %mul3A_284, %scan3A_276 : i32
      %add3A_286 = arith.constant 12288 : i32
      %add3A_287 = arith.addi %add3A_286, %mul3A_285 : i32
      %add3A_288 = arith.constant 16 : i32
      %add3A_289 = arith.addi %add3A_287, %add3A_288 : i32
      %get3A_290 = arith.index_cast %add3A_289 : i32 to index
      %get3A_291 = tpu.vector_load %arg7[%get3A_290] {strides = array<i32>} : memref<16384xi32, #tpu.memory_space<vmem>>, vector<16xi32>,
      %gather3A = tpu.vector_load_idx %arg6[%get3A_283] : memref<100000xf32, #tpu.memory_space<vmem>>[vector<16xi32>], vector<16xf32>,
      %gather3A_292 = tpu.vector_load_idx %arg6[%get3A_291] : memref<100000xf32, #tpu.memory_space<vmem>>[vector<16xi32>], vector<16xf32>,
      %mul3A_293 = arith.constant 32 : i32
      %mul3A_294 = arith.muli %mul3A_293, %scan3A_276 : i32
      %get3A_295 = arith.constant 1 : i32
      %get3A_296 = arith.index_cast %get3A_295 : i32 to index
      %get3A_297 = arith.index_cast %mul3A_294 : i32 to index
      %get3A_298 = tpu.vector_load %arg8[%get3A_296, %get3A_297] {strides = array<i32>} : memref<2x4096xf32, #tpu.memory_space<vmem>>, vector<16xf32>,
      %sub3A = arith.subf %get3A_298, %gather3A : vector<16xf32>
      %mul3A_299 = arith.constant 32 : i32
      %mul3A_300 = arith.muli %mul3A_299, %scan3A_276 : i32
      %add3A_301 = arith.constant 16 : i32
      %add3A_302 = arith.addi %mul3A_300, %add3A_301 : i32
      %get3A_303 = arith.constant 1 : i32
      %get3A_304 = arith.index_cast %get3A_303 : i32 to index
      %get3A_305 = arith.index_cast %add3A_302 : i32 to index
      %get3A_306 = tpu.vector_load %arg8[%get3A_304, %get3A_305] {strides = array<i32>} : memref<2x4096xf32, #tpu.memory_space<vmem>>, vector<16xf32>,
      %sub3A_307 = arith.subf %get3A_306, %gather3A_292 : vector<16xf32>
      %mul3A_308 = arith.mulf %sub3A, %sub3A : vector<16xf32>
      %add3A_309 = arith.addf %scan3A_277, %mul3A_308 : vector<16xf32>
      %mul3A_310 = arith.mulf %sub3A_307, %sub3A_307 : vector<16xf32>
      %add3A_311 = arith.addf %scan3A_278, %mul3A_310 : vector<16xf32>
      scf.yield %add3A_309, %add3A_311 : vector<16xf32>, vector<16xf32>
    }
    %scan3A_270 = arith.constant 128 : i32
    %add3A_271 = arith.addf %scan3A_269#0, %scan3A_269#1 : vector<16xf32>
    %mul3A_272 = arith.constant 9.53674316E-7 : f32
    %mul3A_273 = vector.broadcast %mul3A_272 : f32 to vector<16xf32>
    %mul3A_274 = arith.mulf %add3A_271, %mul3A_273 : vector<16xf32>
    %swap3A = arith.constant 0 : index
    %swap3A_275 = tpu.vector_load %arg9[%swap3A] {strides = array<i32>} : memref<16xf32, #tpu.memory_space<vmem>>, vector<16xf32>,
    tpu.vector_store %arg9[%swap3A], %mul3A_274 {strides = array<i32>} : memref<16xf32, #tpu.memory_space<vmem>>, vector<16xf32>,
    "tpu.region"() ({
      %run_scoped3A = tpu.sem_alloc : memref<!tpu.dma_semaphore, #tpu.memory_space<semaphore_mem>>
      %dma_start3A_276 = arith.constant 0 : i32
      %dma_start3A_277 = tpu.memref_slice %arg5[%add3A, %dma_start3A_276] : memref<32x16xf32, #tpu.memory_space<hbm>> -> memref<1x16xf32, #tpu.memory_space<hbm>>
      %dma_start3A_278 = tpu.memref_squeeze %dma_start3A_277 : memref<1x16xf32, #tpu.memory_space<hbm>> -> memref<16xf32, #tpu.memory_space<hbm>>
      %dma_start3A_279 = arith.constant 0 : i32
      %dma_start3A_280 = tpu.memref_slice %arg5[%add3A, %dma_start3A_279] : memref<32x16xf32, #tpu.memory_space<hbm>> -> memref<1x16xf32, #tpu.memory_space<hbm>>
      %dma_start3A_281 = tpu.memref_squeeze %dma_start3A_280 : memref<1x16xf32, #tpu.memory_space<hbm>> -> memref<16xf32, #tpu.memory_space<hbm>>
      tpu.enqueue_dma source(%arg9 : memref<16xf32, #tpu.memory_space<vmem>>) target(%dma_start3A_281 : memref<16xf32, #tpu.memory_space<hbm>>) target_semaphore(%run_scoped3A : memref<!tpu.dma_semaphore, #tpu.memory_space<semaphore_mem>>)
      %dma_wait3A_282 = arith.constant 0 : i32
      %dma_wait3A_283 = tpu.memref_slice %arg5[%add3A, %dma_wait3A_282] : memref<32x16xf32, #tpu.memory_space<hbm>> -> memref<1x16xf32, #tpu.memory_space<hbm>>
      %dma_wait3A_284 = tpu.memref_squeeze %dma_wait3A_283 : memref<1x16xf32, #tpu.memory_space<hbm>> -> memref<16xf32, #tpu.memory_space<hbm>>
      %dma_wait3A_285 = arith.constant 0 : i32
      %dma_wait3A_286 = tpu.memref_slice %arg5[%add3A, %dma_wait3A_285] : memref<32x16xf32, #tpu.memory_space<hbm>> -> memref<1x16xf32, #tpu.memory_space<hbm>>
      %dma_wait3A_287 = tpu.memref_squeeze %dma_wait3A_286 : memref<1x16xf32, #tpu.memory_space<hbm>> -> memref<16xf32, #tpu.memory_space<hbm>>
      tpu.wait_dma2 semaphore(%run_scoped3A : memref<!tpu.dma_semaphore, #tpu.memory_space<semaphore_mem>>) src(%arg9 : memref<16xf32, #tpu.memory_space<vmem>>) dst(%dma_wait3A_287 : memref<16xf32, #tpu.memory_space<hbm>>)
      tpu.yield
    }) : () -> ()
    return
  }
}

</mosaic_0001>

<sc_bundles>
// kernel: kernel.3.cloned.1.call-start
scs
__scs_entry_jumppad:
0x0: {  	(pc) =	sbr.rel $0x88, $3  }
0x1: {  	(tag) =	ssettag $0x0;
	lr =	simm.s32 $0x1  }
0x2: {  	[smem:$0x3F9E] =	sst lr;
	_ =	strace $0xD0000000  }
0x3: {  	_ = 	snop  }
0x4: {  	_ = 	snop  }
0x5: {  	_ = 	snop  }
0x6: {  	_ = 	snop  }
0x7: {  	_ = 	snop  }
__scs_overlays_trampoline_lowered:
0x8: {  	[smem:$0x3FAD] =	sst s0  }
0x9: {  	[smem:$0x3FAE] =	sst s1  }
0xa: {  	[smem:$0x3FAF] =	sst s2  }
0xb: {  	[smem:$0x3FB0] =	sst s3  }
0xc: {  	[smem:$0x3FB1] =	sst s4  }
0xd: {  	[smem:$0x3FB2] =	sst s5  }
0xe: {  	[smem:$0x3FB3] =	sst s6  }
0xf: {  	[smem:$0x3FB4] =	sst s7  }
0x10: {  	[smem:$0x3FB5] =	sst s8  }
0x11: {  	[smem:$0x3FB6] =	sst s9;
	s0 =	simm.s32 @!p0 $0x0  }
0x12: {  	s1 =	sld [smem:$0x3F9C];
	s0 =	simm.s32 @p0 $0x1  }
0x13: {  	[smem:$0x3FB7] =	sst s0;
	s0 =	simm.s32 @!p1 $0x0  }
0x14: {  	s2 =	sld [smem:$0x3F9B];
	s0 =	simm.s32 @p1 $0x1  }
0x15: {  	[smem:$0x3FB8] =	sst s0;
	s0 =	simm.s32 @!p2 $0x0  }
0x16: {  	s3 =	sld [smem:$0x3FDB];
	s0 =	simm.s32 @p2 $0x1  }
0x17: {  	s4 =	simm.s32 $0x1BF5;
	[smem:$0x3FBA] =	sst s0  }
0x18: {  	s0 =	sld [smem:$0x3F9D];
	_ =	swait.ge [sflag:s4], $0x0  }
0x19: {  	s7 =	sld [smem:$0x3F9E]  }
0x1a: {  	s8 =	sadd.s32 $0xFFFFE003, lr  }
0x1b: {  	s9 =	sadd.s32 $0xFFFFFEF7, lr;
	s5 =	simm.s32 $0xFFFFFFFF;
	p2 =	slt.u32 s8, $0xFFFFF086  }
0x1c: {  	p1 =	slt.u32 s9, $0xF7A;
	s5 =	simm.s32 @!p2 $0x0  }
0x1d: {  	s5 =	simm.s32 @p1 $0x1;
	p0 =	seq.s32 s7, s2  }
0x1e: {  	s7 =	smul.u32 @!p0 $0xF7A, s2;
	p2 =	seq.s32 @!p0 s5, $0x0  }
0x1f: {  	s9 =	smul.u32 $0xF7A, s1;
	s8 =	simm.s32 @!p0 $0x1BF5;
	p2 =	por !p2, p0  }
0x20: {  	[sflag:s8] =	ssyncset.s32 @!p0 $0xFFFFF086;
	s6 =	sadd.s32 @!p0 s3, s7;
	s7 =	simm.s32 @!p0 $0x108  }
0x21: {  	s3 =	sadd.s32 s3, s9;
	s6 =	sadd.s32 @!p0 $0x88, s6;
	s7 =	simm.s32 @p2 $0x1082  }
0x22: {  	[simem:s7], [sflag:s8] =	dma.local @!p0 [hbm:s6], $0xF7A  }
0x23: {  	s9 =	sor.u32 $0xD0000000, s2;
	s6 =	simm.s32 $0x108;
	_ =	swait.ge @!p0 [sflag:s8], $0x0  }
0x24: {  	s3 =	sadd.s32 $0x88, s3;
	s6 =	simm.s32 @!p1 $0x1082;
	[sflag:s4] =	ssyncset.s32 $0xFFFFF086  }
0x25: {  	[simem:s6], [sflag:s4] =	dma.local [hbm:s3], $0xF7A  }
0x26: {  	[smem:$0x3F9E] =	sst s1;
	(tag) =	ssettag s2;
	_ =	strace s9  }
0x27: {  	s1 =	sld [smem:$0x3FAE]  }
0x28: {  	s2 =	sld [smem:$0x3FAF]  }
0x29: {  	s4 =	sld [smem:$0x3FB1]  }
0x2a: {  	p0 =	seq.s32 s5, $0x0;
	s5 =	sld [smem:$0x3FB2]  }
0x2b: {  	s6 =	sld [smem:$0x3FB3]  }
0x2c: {  	s7 =	sld [smem:$0x3FB4]  }
0x2d: {  	s3 =	simm.s32 $0x108;
	s8 =	sld [smem:$0x3FB5]  }
0x2e: {  	s3 =	simm.s32 @!p0 $0x1082;
	s9 =	sld [smem:$0x3FB6]  }
0x2f: {  	lr =	sadd.s32 s0, s3;
	s0 =	sld [smem:$0x3FAD]  }
0x30: {  	s3 =	sld [smem:$0x3FB0]  }
0x31: {  	[smem:$0x3FB9] =	sst s10  }
0x32: {  	s10 =	sld [smem:$0x3FB7];
	_ =	sdelay $0x3  }
0x33: {  	p0 =	seq.s32 s10, $0x1;
	s10 =	sld [smem:$0x3FB9];
	_ =	sdelay $0x3  }
0x34: {  	[smem:$0x3FB9] =	sst s10  }
0x35: {  	s10 =	sld [smem:$0x3FB8];
	_ =	sdelay $0x3  }
0x36: {  	p1 =	seq.s32 s10, $0x1;
	s10 =	sld [smem:$0x3FB9];
	_ =	sdelay $0x3  }
0x37: {  	[smem:$0x3FB9] =	sst s10  }
0x38: {  	s10 =	sld [smem:$0x3FBA]  }
0x39: {  	_ = 	snop;
	(pc) =	sbr.ind lr, $3  }
0x3a: {  	_ = 	snop  }
0x3b: {  	_ = 	snop  }
0x3c: {  	p2 =	seq.s32 s10, $0x1;
	s10 =	sld [smem:$0x3FB9]  }
0x3d: {  	_ =	shalt  }
0x3e: {  	_ =	shalt  }
0x3f: {  	_ =	shalt  }
0x40: {  	_ =	shalt  }
0x41: {  	_ =	shalt  }
0x42: {  	_ =	shalt  }
0x43: {  	_ =	shalt  }
0x44: {  	_ =	shalt  }
0x45: {  	_ =	shalt  }
0x46: {  	_ =	shalt  }
0x47: {  	_ =	shalt  }
0x48: {  	_ =	shalt  }
0x49: {  	_ =	shalt  }
0x4a: {  	_ =	shalt  }
0x4b: {  	_ =	shalt  }
0x4c: {  	_ =	shalt  }
0x4d: {  	_ =	shalt  }
0x4e: {  	_ =	shalt  }
0x4f: {  	_ =	shalt  }
0x50: {  	_ =	shalt  }
0x51: {  	_ =	shalt  }
0x52: {  	_ =	shalt  }
0x53: {  	_ =	shalt  }
0x54: {  	_ =	shalt  }
0x55: {  	_ =	shalt  }
0x56: {  	_ =	shalt  }
0x57: {  	_ =	shalt  }
0x58: {  	_ =	shalt  }
0x59: {  	_ =	shalt  }
0x5a: {  	_ =	shalt  }
0x5b: {  	_ =	shalt  }
0x5c: {  	_ =	shalt  }
0x5d: {  	_ =	shalt  }
0x5e: {  	_ =	shalt  }
0x5f: {  	_ =	shalt  }
0x60: {  	_ =	shalt  }
0x61: {  	_ =	shalt  }
0x62: {  	_ =	shalt  }
0x63: {  	_ =	shalt  }
0x64: {  	_ =	shalt  }
0x65: {  	_ =	shalt  }
0x66: {  	_ =	shalt  }
0x67: {  	_ =	shalt  }
0x68: {  	_ =	shalt  }
0x69: {  	_ =	shalt  }
0x6a: {  	_ =	shalt  }
0x6b: {  	_ =	shalt  }
0x6c: {  	_ =	shalt  }
0x6d: {  	_ =	shalt  }
0x6e: {  	_ =	shalt  }
0x6f: {  	_ =	shalt  }
0x70: {  	_ =	shalt  }
0x71: {  	_ =	shalt  }
0x72: {  	_ =	shalt  }
0x73: {  	_ =	shalt  }
0x74: {  	_ =	shalt  }
0x75: {  	_ =	shalt  }
0x76: {  	_ =	shalt  }
0x77: {  	_ =	shalt  }
0x78: {  	_ =	shalt  }
0x79: {  	_ =	shalt  }
0x7a: {  	_ =	shalt  }
0x7b: {  	_ =	shalt  }
0x7c: {  	_ =	shalt  }
0x7d: {  	_ =	shalt  }
0x7e: {  	_ =	shalt  }
0x7f: {  	_ =	shalt  }
0x80: {  	_ =	shalt  }
0x81: {  	_ =	shalt  }
0x82: {  	_ =	shalt  }
0x83: {  	_ =	shalt  }
0x84: {  	_ =	shalt  }
0x85: {  	_ =	shalt  }
0x86: {  	_ =	shalt  }
0x87: {  	_ =	shalt  }
.Lfunc_end0:
.L_simem_size_0:
called_computation_lowered:
.L_overlay_start_0:
0x88: {  	s2 =	sld [smem:$0x3FD9]  }
0x89: {  	s3 =	sld [smem:$0x3FFE];
	_ =	sdelay $0x1  }
0x8a: {  	s1 =	srdreg.scid  }
0x8b: {  	s0 =	sand.u32 $0x1, s1  }
0x8c: {  	s17 =	sshll.u32 s0, $0xA;
	s2 =	sadd.s32 s3, s2  }
0x8d: {  	s2 =	sadd.s32 s2, s17  }
0x8e: {  	[smem:$0x3FC5] =	sst s2  }
0x8f: {  	_ = 	snop  }
0x90: {  	s2 =	sld [smem:$0x3FC9]  }
0x91: {  	s18 =	sld [smem:$0x3FC8]  }
0x92: {  	s4 =	sld [smem:$0x3FC7];
	(tm) =	ssettm $0x1  }
0x93: {  	s5 =	sld [smem:$0x3FFB];
	_ =	sdelay $0x3  }
0x94: {  	_ =	strace s5  }
0x95: {  	s5 =	sld [smem:$0x3FFC];
	_ =	sdelay $0x3  }
0x96: {  	_ =	strace s5  }
0x97: {  	s5 =	sld [smem:$0x3FFD];
	_ =	sdelay $0x3  }
0x98: {  	_ =	strace s5  }
0x99: {  	_ =	strace $0x8FFFFFFF  }
0x9a: {  	s19 =	sld [smem:$0x3FDB];
	_ =	sdelay $0x1  }
0x9b: {  	s6 =	simm.s32 $_scs_section_size  }
0x9c: {  	s7 =	simm.s32 $_size__tile_overlayer_lowered;
	s8 =	simm.s32 $_tile_overlayer_lowered  }
0x9d: {  	s22 =	simm.s32 $0x1BFF;
	s21 =	sshll.u32 s8, $0x1;
	s5 =	sadd.s32 s6, s19  }
0x9e: {  	s9 =	simm.s32 $0x0;
	s20 =	sshll.u32 s7, $0x1;
	s7 =	sadd.s32 s21, s5  }
0x9f: {  	[timem:s9], [sflag:s22] =	dma.local [hbm:s7], s20  }
0xa0: {  	_ =	swait.ge [sflag:s22], s20  }
0xa1: {  	s6 =	ssub.s32 $0x0, s20;
	[sflag:s22] =	ssyncset.done $0x0  }
0xa2: {  	[sflag:s22] =	ssyncadd.s32 s6;
	_ =	sdelay $0x1  }
0xa3: {  	s23 =	simm.s32 $0x1B8B  }
0xa4: {  	_ =	swait.ge [sflag:s23], $0x1  }
0xa5: {  	[sflag:s23] =	ssyncset.done $0x0  }
0xa6: {  	s25 =	simm.s32 $0x1B8E;
	s24 =	sld [smem:$0x3FFE];
	[sflag:s23] =	ssyncadd.s32 $0xFFFFFFFF  }
0xa7: {  	s26 =	simm.s32 $execute0_lowered;
	[smem:$0x3FD2] =	sst s25  }
0xa8: {  	s7 =	sshll.u32 s26, $0x1;
	_ =	strace $0x80000046;
	[dreg:$0x1] =	wrdreg $0xFFFFFFFF  }
0xa9: {  	s28 =	simm.s32 $_size_execute0_lowered;
	s5 =	sadd.s32 s5, s7;
	[dreg:$0x0] =	wrdreg $0x0  }
0xaa: {  	s7 =	sshll.u32 s28, $0x1;
	[dreg:$0x2] =	wrdreg s5  }
0xab: {  	[dreg:$0x3] =	wrdreg s7  }
0xac: {  	[dreg:$0x4] =	wrdreg $0xC0  }
0xad: {  	_ =	task [dreg:s9], $0x5FFFF  }
0xae: {  	[dreg:$0x1] =	wrdreg $0xFFFFFFFF  }
0xaf: {  	[dreg:$0x0] =	wrdreg $0x60  }
0xb0: {  	[dreg:$0x2] =	wrdreg s2  }
0xb1: {  	[dreg:$0x3] =	wrdreg s18  }
0xb2: {  	[dreg:$0x4] =	wrdreg s4  }
0xb3: {  	[dreg:$0x5] =	wrdreg s24  }
0xb4: {  	[dreg:$0x6] =	wrdreg $0x9  }
0xb5: {  	_ =	task.clear_ibuf [dreg:s9], $0x7FFFF;
	_ =	strace $0x90000046  }
0xb6: {  	s29 =	simm.s32 $0x9;
	_ =	strace $0x80000048  }
0xb7: {  	_ =	swait.ge [sflag:s29], $0x1  }
0xb8: {  	[sflag:s29] =	ssyncadd.s32 $0xFFFFFFFF  }
0xb9: {  	_ =	strace $0x90000048  }
0xba: {  	_ =	sfence  }
0xbb: {  	s30 =	sld [smem:$0x0];
	_ =	sdelay $0x2  }
0xbc: {  	s31 =	sshll.u32 s1, $0xD;
	s1 =	sshrl.u32 s1, $0x2  }
0xbd: {  	s3 =	sand.u32 $0x4000, s31;
	s1 =	sadd.s32 s1, s30  }
0xbe: {  	s0 =	sor.u32 s3, s0;
	s1 =	sshll.u32 s1, $0x11  }
0xbf: {  	s0 =	sor.u32 s1, s0  }
0xc0: {  	s0 =	sadd.s32 $0x8F2B, s0  }
0xc1: {  	[sflag:s0] =	ssyncadd.remote.s32 $0x1  }
0xc2: {  	_ =	sfence.sel $0xFFFF  }
0xc3: {  	[dreg:$0x0] =	wrdreg $0xFFFFFFFF;
	(pc) =	sbr.abs _section_cstart, $3  }
0xc4: {  	[dreg:$0x1] =	wrdreg $0xFFFFFFFF  }
0xc5: {  	_ =	task.clear_ibuf [dreg:s9], $0x2FFFF;
	_ =	strace $0x9FFFFFFF  }
0xc6: {  	(tm) =	ssettm $0x7FFFFFFF  }
0xc7: {  	_ =	shalt  }
tec
execute0_lowered:
.L_overlay_start_1:
0x0: {  	(tag) =	ssettag $0x1  }
0x1: {  	s0 =	rddreg [dreg:$0x0]  }
0x2: {  	s1 =	rddreg [dreg:$0x2]  }
0x3: {  	s2 =	rddreg [dreg:$0x3]  }
0x4: {  	s3 =	srdreg.scid;
	s6 =	stileid.u32  }
0x5: {  	s18 =	simm.s32 $0x400;
	s19 =	simm.s32 $0x2;
	s20 =	simm.s32 $0x1  }
0x6: {  	s21 =	simm.s32 $0x3;
	s22 =	simm.s32 $0x4;
	s23 =	simm.s32 $0x1E700  }
0x7: {  	s24 =	simm.s32 $0x5;
	s4 =	sand.u32 $0x1, s3;
	s5 =	sshll.u32 s6, $0x1  }
0x8: {  	s3 =	simm.s32 $0x0;
	s25 =	sshrl.u32 s6, $0x1;
	s12 =	sadd.s32 $0x1000, s0  }
0x9: {  	s13 =	sadd.s32 $0x2000, s0;
	s16 =	sadd.s32 $0x3000, s0;
	s14 =	sor.u32 s4, s5  }
0xa: {  	[smem:$0x7FF] =	sst s3;
	s8 =	smul.u32 $0xC3800, s25;
	s4 =	ssub.s32 $0x2, s4  }
0xb: {  	s10 =	sshll.u32 s25, $0x11;
	s25 =	simm.s32 $0x0;
	s26 =	sshll.u32 s14, $0x8  }
0xc: {  	_ =	strace $0x80000047;
	s28 =	sshrl.u32 s4, $0x1;
	s31 =	sshll.u32 s14, $0x4  }
0xd: {  	s9 =	sand.u32 $0x300, s26;
	s15 =	ssub.s32 s4, s28;
	s14 =	sadd.s32 s2, s31  }
0xe: {  	s6 =	sor.u32 s8, s9;
	s7 =	sor.u32 s10, s9;
	s9 =	sor.u32 $0x80, s9  }
0xf: {  	s15 =	smax.u32 s15, $0x1;
	s6 =	sshrl.u32 s6, $0x3;
	s11 =	sshrl.u32 s7, $0x3  }
0x10: {  	s17 =	sor.u32 s8, s9;
	s9 =	sor.u32 s10, s9;
	s4 =	sadd.s32 s1, s6  }
0x11: {  	s5 =	sadd.s32 s0, s11;
	s6 =	sadd.s32 s11, s12;
	s7 =	sadd.s32 s11, s13  }
0x12: {  	s8 =	sadd.s32 s11, s16;
	s29 =	sshrl.u32 s17, $0x3;
	s30 =	sshrl.u32 s9, $0x3  }
0x13: {  	s17 =	simm.s32 $0x80;
	s9 =	sadd.s32 s1, s29;
	s10 =	sadd.s32 s0, s30  }
0x14: {  	s11 =	sadd.s32 s30, s12;
	s12 =	sadd.s32 s30, s13;
	s13 =	sadd.s32 s30, s16  }
.LBB2_1:
0x15: {  	s0 =	rddreg [dreg:$0x1];
	s1 =	simm.s32 $0x18700;
	s16 =	sadd.s32 $0x0, s5  }
0x16: {  	[tilespmem:s1], [sflag:$0x2] =	stream.linear.gather [hbm4b:s0+s3], $0x4000, $0x38;
	[tilespmem:$0x1E780] =	vst v63  }
0x17: {  	s2 =	simm.s32 $0x1C800;
	s0 =	simm.s32 $0x1C700;
	s1 =	simm.s32 $0x80  }
0x18: {  	[tilespmem:s3], [sflag:$0x1] =	stream.strided.gather [hbm4b:s4+s17], $0x18700, s18, s17, $0x38;
	[tilespmem:$0x1E780] =	vst v63  }
.LBB2_2:
0x19: {  	[tilespmem:s0], [sflag:$0x3] =	stream.linear.gather [hbm4b:s16+s3], $0x80, $0x38;
	[tilespmem:$0x1E780] =	vst v63  }
0x1a: {  	s16 =	smov.u32 s1;
	s0 =	smov.u32 s2;
	p0 =	sne.s32 s1, $0xF80  }
.Ltmp0:
0x1b: {  	s1 =	sadd.s32 $0x80, s1;
	(pc) =	sbr.rel @p0 .LBB2_2-.Ltmp0, $2  }
0x1c: {  	_ =	sdelay $0x2  }
0x1d: {  	s2 =	sadd.s32 $0x100, s2;
	s16 =	sadd.s32 s16, s5  }
0x1e: {  	[tilespmem:s0], [sflag:$0x3] =	stream.linear.gather [hbm4b:s16+s3], $0x80, $0x38;
	[tilespmem:$0x1E780] =	vst v63  }
0x1f: {  	_ =	swait.ge [sflag:s19], $0x4000  }
0x20: {  	[sflag:s19] =	ssyncset.done $0x0  }
0x21: {  	[sflag:s19] =	ssyncadd.s32 $0xFFFFC000  }
0x22: {  	_ =	swait.ge [sflag:s20], $0x18700  }
0x23: {  	s0 =	simm.s32 $0x1C780;
	s1 =	simm.s32 $0x80;
	[sflag:s20] =	ssyncset.done $0x0  }
0x24: {  	s16 =	sadd.s32 $0x0, s6;
	s2 =	simm.s32 $0x1C880;
	[sflag:s20] =	ssyncadd.s32 $0xFFFE7900  }
.LBB2_4:
0x25: {  	[tilespmem:s0], [sflag:$0x4] =	stream.linear.gather [hbm4b:s16+s3], $0x80, $0x38;
	[tilespmem:$0x1E780] =	vst v63  }
0x26: {  	s16 =	smov.u32 s1;
	s0 =	smov.u32 s2;
	p0 =	sne.s32 s1, $0xF80  }
.Ltmp1:
0x27: {  	s1 =	sadd.s32 $0x80, s1;
	(pc) =	sbr.rel @p0 .LBB2_4-.Ltmp1, $2  }
0x28: {  	_ =	sdelay $0x2  }
0x29: {  	s2 =	sadd.s32 $0x100, s2;
	s16 =	sadd.s32 s16, s6  }
0x2a: {  	[tilespmem:s0], [sflag:$0x4] =	stream.linear.gather [hbm4b:s16+s3], $0x80, $0x38;
	[tilespmem:$0x1E780] =	vst v63  }
0x2b: {  	s0 =	simm.s32 $0x0  }
0x2c: {  	_ =	swait.ge [sflag:s21], $0x1000;
	s1 =	sand.u32 $0x60, s0  }
0x2d: {  	s26 =	sand.u32 $0xF80, s0;
	[sflag:s21] =	ssyncset.done $0x0;
	s16 =	sor.u32 $0x10, s1  }
0x2e: {  	[sflag:s21] =	ssyncadd.s32 $0xFFFFF000;
	s26 =	sor.u32 s16, s26  }
0x2f: {  	s2 =	simm.s32 $0x18700;
	v1 =	vld [tilespmem:s26+$0x18700]  }
0x30: {  	s0 =	sand.u32 $0x1F00, s0;
	v0 =	vld [tilespmem:s2+$0x0]  }
0x31: {  	s0 =	sadd.s32 $0x1C700, s0;
	s26 =	simm.s32 $0x18720  }
0x32: {  	v2 =	vld [tilespmem:s26+$0x0];
	s26 =	sor.u32 s16, s0;
	s16 =	simm.s32 $0x20  }
0x33: {  	v5 =	vld [tilespmem:s26+$0x0];
	s26 =	sand.u32 $0x60, s16  }
0x34: {  	s0 =	sor.u32 s1, s0;
	s2 =	sand.u32 $0xF80, s16;
	s28 =	sor.u32 $0x10, s26  }
0x35: {  	v7 =	vld [tilespmem:s0+$0x0];
	s0 =	sor.u32 s28, s2  }
0x36: {  	v4 =	vld [tilespmem:s0+$0x18700]  }
0x37: {  	v1 =	vld.idx.msk [tilespmem:v1+s3+$0x0], $0xffff  }
0x38: {  	v6 =	vld.idx.msk [tilespmem:v0+s3+$0x0], $0xffff;
	_ =	sdelay $0x1  }
0x39: {  	s16 =	simm.s32 $0x40  }
0x3a: {  	s31 =	simm.s32 $0x18740;
	s29 =	sand.u32 $0x60, s16  }
0x3b: {  	s30 =	simm.s32 $0x40;
	v3 =	vld [tilespmem:s31+$0x0];
	s1 =	sand.u32 $0xF80, s16;
	s0 =	sor.u32 $0x10, s29;
	v5 =	vsub.f32 v5, v1  }
0x3c: {  	s16 =	sand.u32 $0x1F00, s30;
	s2 =	sor.u32 s0, s1;
	s1 =	simm.s32 $0x60;
	v0 =	vimm.f32 $0.0e+00;
	v2 =	vld.idx.msk [tilespmem:v2+s3+$0x0], $0xffff;
	v6 =	vsub.f32 v7, v6;
	v1 =	vimm.f32 $0.0e+00  }
.LBB2_6:
0x3d: {  	p0 =	sne.s32 s1, $0xFE0;
	v7 =	vld [tilespmem:s2+$0x18700];
	s2 =	sadd.s32 $0x1C700, s16;
	v5 =	vmul.f32 v5, v5  }
0x3e: {  	v8 =	vld.idx.msk [tilespmem:v4+s3+$0x0], $0xffff;
	s16 =	sor.u32 s26, s2;
	s2 =	sor.u32 s28, s2;
	v4 =	vmul.f32 v6, v6;
	s26 =	smov.u32 s29  }
0x3f: {  	s28 =	smov.u32 s0;
	v6 =	vld [tilespmem:s2+$0x0];
	v0 =	vadd.f32 v5, v0  }
0x40: {  	v9 =	vld [tilespmem:s16+$0x0];
	v1 =	vadd.f32 v4, v1;
	v10 =	vmov v3  }
.Ltmp2:
0x41: {  	(pc) =	sbr.rel @p0 .LBB2_6-.Ltmp2, $4  }
0x42: {  	v4 =	vmov v7  }
0x43: {  	s31 =	sadd.s32 $0x20, s31;
	s29 =	sand.u32 $0x60, s1  }
0x44: {  	s30 =	sadd.s32 $0x40, s30;
	s0 =	sor.u32 $0x10, s29;
	s2 =	sand.u32 $0xF80, s1;
	v3 =	vld [tilespmem:s31+$0x0];
	v5 =	vsub.f32 v6, v8  }
0x45: {  	s1 =	sadd.s32 $0x20, s1;
	s2 =	sor.u32 s0, s2;
	s16 =	sand.u32 $0x1F00, s30;
	v6 =	vsub.f32 v9, v2;
	v2 =	vld.idx.msk [tilespmem:v10+s3+$0x0], $0xffff  }
0x46: {  	_ =	sdelay $0x1  }
0x47: {  	v7 =	vld [tilespmem:s2+$0x18700]  }
0x48: {  	s1 =	sadd.s32 $0x1C700, s16  }
0x49: {  	v4 =	vld.idx.msk [tilespmem:v4+s3+$0x0], $0xffff;
	s30 =	sadd.s32 $0x40, s30;
	s28 =	sor.u32 s28, s1  }
0x4a: {  	s1 =	sor.u32 s26, s1;
	s31 =	sand.u32 $0x1F00, s30;
	v8 =	vld [tilespmem:s28+$0x0]  }
0x4b: {  	v9 =	vld [tilespmem:s1+$0x0];
	s1 =	sadd.s32 $0x1C700, s31  }
0x4c: {  	v3 =	vld.idx.msk [tilespmem:v3+s3+$0x0], $0xffff;
	s0 =	sor.u32 s0, s1  }
0x4d: {  	s1 =	sor.u32 s29, s1;
	v10 =	vld [tilespmem:s0+$0x0]  }
0x4e: {  	v11 =	vld [tilespmem:s1+$0x0]  }
0x4f: {  	v7 =	vld.idx.msk [tilespmem:v7+s3+$0x0], $0xffff;
	_ =	sdelay $0x1  }
0x50: {  	v6 =	vmul.f32 v6, v6;
	v2 =	vsub.f32 v9, v2  }
0x51: {  	v5 =	vmul.f32 v5, v5;
	v4 =	vsub.f32 v8, v4  }
0x52: {  	v1 =	vadd.f32 v6, v1;
	v2 =	vmul.f32 v2, v2;
	v3 =	vsub.f32 v11, v3  }
0x53: {  	v0 =	vadd.f32 v5, v0;
	v4 =	vmul.f32 v4, v4;
	v63 =	vsub.f32 v10, v7  }
0x54: {  	v1 =	vadd.f32 v2, v1;
	v3 =	vmul.f32 v3, v3  }
0x55: {  	v0 =	vadd.f32 v4, v0;
	v2 =	vmul.f32 v63, v63  }
0x56: {  	s16 =	sadd.s32 $0x0, s7;
	v1 =	vadd.f32 v3, v1  }
0x57: {  	s2 =	simm.s32 $0x1C800;
	s0 =	simm.s32 $0x1C700;
	s1 =	simm.s32 $0x80;
	v0 =	vadd.f32 v2, v0  }
.LBB2_8:
0x58: {  	[tilespmem:s0], [sflag:$0x3] =	stream.linear.gather [hbm4b:s16+s3], $0x80, $0x38;
	[tilespmem:$0x1E780] =	vst v63  }
0x59: {  	s16 =	smov.u32 s1;
	s0 =	smov.u32 s2;
	p0 =	sne.s32 s1, $0xF80  }
.Ltmp3:
0x5a: {  	s1 =	sadd.s32 $0x80, s1;
	(pc) =	sbr.rel @p0 .LBB2_8-.Ltmp3, $2  }
0x5b: {  	_ =	sdelay $0x2  }
0x5c: {  	s2 =	sadd.s32 $0x100, s2;
	s16 =	sadd.s32 s16, s7  }
0x5d: {  	[tilespmem:s0], [sflag:$0x3] =	stream.linear.gather [hbm4b:s16+s3], $0x80, $0x38;
	[tilespmem:$0x1E780] =	vst v63  }
0x5e: {  	_ =	swait.ge [sflag:s22], $0x1000  }
0x5f: {  	[sflag:s22] =	ssyncset.done $0x0  }
0x60: {  	s29 =	simm.s32 $0x19710;
	s1 =	simm.s32 $0x0;
	[sflag:s22] =	ssyncadd.s32 $0xFFFFF000  }
0x61: {  	s30 =	sand.u32 $0xFE0, s1;
	v2 =	vld [tilespmem:s29+$0x0]  }
0x62: {  	v3 =	vld [tilespmem:s30+$0x19700];
	_ =	sdelay $0x1  }
0x63: {  	s31 =	simm.s32 $0x19730  }
0x64: {  	s2 =	simm.s32 $0x20;
	s26 =	sand.u32 $0x60, s1;
	s1 =	sand.u32 $0x1F00, s1  }
0x65: {  	s16 =	sand.u32 $0xFE0, s2;
	v4 =	vld [tilespmem:s31+$0x0];
	s29 =	sor.u32 s26, s1  }
0x66: {  	v7 =	vld [tilespmem:s16+$0x19700];
	s0 =	sadd.s32 $0x1C700, s29  }
0x67: {  	v6 =	vld [tilespmem:s0+$0x80]  }
0x68: {  	v5 =	vld.idx.msk [tilespmem:v2+s3+$0x0], $0xffff  }
0x69: {  	v2 =	vld.idx.msk [tilespmem:v3+s3+$0x0], $0xffff  }
0x6a: {  	v8 =	vld [tilespmem:s0+$0x90];
	_ =	sdelay $0x2  }
0x6b: {  	s26 =	simm.s32 $0x19750  }
0x6c: {  	s28 =	simm.s32 $0x40;
	s0 =	simm.s32 $0x40;
	v3 =	vld [tilespmem:s26+$0x0];
	v6 =	vsub.f32 v6, v2  }
0x6d: {  	s2 =	sand.u32 $0x60, s2;
	s31 =	sand.u32 $0x1F00, s28;
	s30 =	sand.u32 $0xFE0, s0;
	v2 =	vld.idx.msk [tilespmem:v4+s3+$0x0], $0xffff;
	v8 =	vsub.f32 v8, v5  }
0x6e: {  	s2 =	sor.u32 s2, s31;
	v4 =	vld [tilespmem:s30+$0x19700];
	v6 =	vmul.f32 v6, v6  }
0x6f: {  	s1 =	simm.s32 $0x60;
	s2 =	sadd.s32 $0x1C700, s2;
	v5 =	vld.idx.msk [tilespmem:v7+s3+$0x0], $0xffff;
	v7 =	vmul.f32 v8, v8  }
.LBB2_10:
0x70: {  	p0 =	sne.s32 s1, $0xFE0;
	v8 =	vld [tilespmem:s2+$0x80];
	v1 =	vadd.f32 v6, v1  }
0x71: {  	v6 =	vld [tilespmem:s2+$0x90];
	v0 =	vadd.f32 v7, v0;
	v7 =	vmov v3;
	_ =	sdelay $0x1  }
0x72: {  	v9 =	vmov v4  }
.Ltmp4:
0x73: {  	s26 =	sadd.s32 $0x20, s26;
	(pc) =	sbr.rel @p0 .LBB2_10-.Ltmp4, $4  }
0x74: {  	s28 =	sadd.s32 $0x40, s28;
	v3 =	vld [tilespmem:s26+$0x0];
	v5 =	vsub.f32 v8, v5  }
0x75: {  	s0 =	sand.u32 $0x60, s0;
	s2 =	sand.u32 $0xFE0, s1;
	s16 =	sand.u32 $0x1F00, s28;
	v8 =	vsub.f32 v6, v2;
	v2 =	vld.idx.msk [tilespmem:v7+s3+$0x0], $0xffff  }
0x76: {  	v4 =	vld [tilespmem:s2+$0x19700];
	s2 =	sor.u32 s0, s16;
	v6 =	vmul.f32 v5, v5;
	s0 =	smov.u32 s1  }
0x77: {  	s1 =	sadd.s32 $0x20, s1;
	v5 =	vld.idx.msk [tilespmem:v9+s3+$0x0], $0xffff;
	s2 =	sadd.s32 $0x1C700, s2;
	v7 =	vmul.f32 v8, v8  }
0x78: {  	_ =	sdelay $0x3  }
0x79: {  	v8 =	vld [tilespmem:s2+$0x80];
	s1 =	sadd.s32 $0x40, s28  }
0x7a: {  	v9 =	vld [tilespmem:s2+$0x90];
	s0 =	sand.u32 $0x60, s0;
	s1 =	sand.u32 $0x1F00, s1  }
0x7b: {  	v3 =	vld.idx.msk [tilespmem:v3+s3+$0x0], $0xffff;
	s0 =	sor.u32 s0, s1  }
0x7c: {  	v4 =	vld.idx.msk [tilespmem:v4+s3+$0x0], $0xffff;
	s0 =	sadd.s32 $0x1C700, s0  }
0x7d: {  	v10 =	vld [tilespmem:s0+$0x80]  }
0x7e: {  	v11 =	vld [tilespmem:s0+$0x90];
	_ =	sdelay $0x1  }
0x7f: {  	v5 =	vsub.f32 v8, v5;
	v2 =	vsub.f32 v9, v2  }
0x80: {  	v1 =	vadd.f32 v6, v1;
	v0 =	vadd.f32 v7, v0  }
0x81: {  	v5 =	vmul.f32 v5, v5;
	v2 =	vmul.f32 v2, v2;
	v4 =	vsub.f32 v10, v4  }
0x82: {  	v3 =	vsub.f32 v11, v3  }
0x83: {  	v1 =	vadd.f32 v5, v1;
	v2 =	vadd.f32 v2, v0;
	v0 =	vmul.f32 v4, v4  }
0x84: {  	v3 =	vmul.f32 v3, v3  }
0x85: {  	s16 =	sadd.s32 $0x0, s8;
	v0 =	vadd.f32 v0, v1  }
0x86: {  	s2 =	simm.s32 $0x1C880;
	s1 =	simm.s32 $0x80;
	s0 =	simm.s32 $0x1C780;
	v1 =	vadd.f32 v3, v2  }
.LBB2_12:
0x87: {  	[tilespmem:s0], [sflag:$0x4] =	stream.linear.gather [hbm4b:s16+s3], $0x80, $0x38;
	[tilespmem:$0x1E780] =	vst v63  }
0x88: {  	s16 =	smov.u32 s1;
	s0 =	smov.u32 s2;
	p0 =	sne.s32 s1, $0xF80  }
.Ltmp5:
0x89: {  	s1 =	sadd.s32 $0x80, s1;
	(pc) =	sbr.rel @p0 .LBB2_12-.Ltmp5, $2  }
0x8a: {  	_ =	sdelay $0x2  }
0x8b: {  	s2 =	sadd.s32 $0x100, s2;
	s16 =	sadd.s32 s16, s8  }
0x8c: {  	[tilespmem:s0], [sflag:$0x4] =	stream.linear.gather [hbm4b:s16+s3], $0x80, $0x38;
	[tilespmem:$0x1E780] =	vst v63  }
0x8d: {  	_ =	swait.ge [sflag:s21], $0x1000  }
0x8e: {  	[sflag:s21] =	ssyncset.done $0x0  }
0x8f: {  	s31 =	simm.s32 $0x1A710;
	s1 =	simm.s32 $0x0;
	[sflag:s21] =	ssyncadd.s32 $0xFFFFF000  }
0x90: {  	s2 =	sand.u32 $0xFE0, s1;
	v2 =	vld [tilespmem:s31+$0x0]  }
0x91: {  	v3 =	vld [tilespmem:s2+$0x1A700];
	_ =	sdelay $0x3  }
0x92: {  	s16 =	simm.s32 $0x1A730;
	s2 =	simm.s32 $0x20  }
0x93: {  	v4 =	vld [tilespmem:s16+$0x0];
	s26 =	sand.u32 $0xFE0, s2  }
0x94: {  	v8 =	vld [tilespmem:s26+$0x1A700]  }
0x95: {  	s29 =	sand.u32 $0x60, s1;
	s1 =	sand.u32 $0x1F00, s1;
	v5 =	vld.idx.msk [tilespmem:v2+s3+$0x0], $0xffff  }
0x96: {  	s0 =	sor.u32 s29, s1;
	v2 =	vld.idx.msk [tilespmem:v3+s3+$0x0], $0xffff  }
0x97: {  	s1 =	sadd.s32 $0x1C700, s0;
	v3 =	vld [tilespmem:s0+$0x1C700]  }
0x98: {  	v7 =	vld [tilespmem:s1+$0x10];
	_ =	sdelay $0x2  }
0x99: {  	s28 =	simm.s32 $0x1A750  }
0x9a: {  	v6 =	vld [tilespmem:s28+$0x0];
	s26 =	simm.s32 $0x40;
	v3 =	vsub.f32 v3, v2  }
0x9b: {  	s30 =	sand.u32 $0xFE0, s26;
	s0 =	simm.s32 $0x40;
	v2 =	vld.idx.msk [tilespmem:v4+s3+$0x0], $0xffff;
	v5 =	vsub.f32 v7, v5  }
0x9c: {  	s2 =	sand.u32 $0x60, s2;
	s31 =	sand.u32 $0x1F00, s0;
	v7 =	vld [tilespmem:s30+$0x1A700];
	v4 =	vmul.f32 v3, v3  }
0x9d: {  	s1 =	simm.s32 $0x60;
	s2 =	sor.u32 s2, s31;
	v3 =	vld.idx.msk [tilespmem:v8+s3+$0x0], $0xffff;
	v5 =	vmul.f32 v5, v5  }
.LBB2_14:
0x9e: {  	p0 =	sne.s32 s1, $0xFE0;
	s16 =	sadd.s32 $0x1C700, s2;
	v8 =	vld [tilespmem:s2+$0x1C700];
	v0 =	vadd.f32 v4, v0  }
0x9f: {  	v4 =	vld [tilespmem:s16+$0x10];
	v1 =	vadd.f32 v5, v1;
	v5 =	vmov v6;
	_ =	sdelay $0x1  }
0xa0: {  	v9 =	vmov v7  }
.Ltmp6:
0xa1: {  	s28 =	sadd.s32 $0x20, s28;
	(pc) =	sbr.rel @p0 .LBB2_14-.Ltmp6, $4  }
0xa2: {  	v6 =	vld [tilespmem:s28+$0x0];
	v3 =	vsub.f32 v8, v3  }
0xa3: {  	s2 =	sand.u32 $0xFE0, s1;
	s0 =	sadd.s32 $0x40, s0;
	v8 =	vsub.f32 v4, v2;
	v2 =	vld.idx.msk [tilespmem:v5+s3+$0x0], $0xffff  }
0xa4: {  	s16 =	sand.u32 $0x1F00, s0;
	v7 =	vld [tilespmem:s2+$0x1A700];
	s2 =	sand.u32 $0x60, s26;
	v4 =	vmul.f32 v3, v3;
	s26 =	smov.u32 s1  }
0xa5: {  	s1 =	sadd.s32 $0x20, s1;
	v3 =	vld.idx.msk [tilespmem:v9+s3+$0x0], $0xffff;
	s2 =	sor.u32 s2, s16;
	v5 =	vmul.f32 v8, v8  }
0xa6: {  	_ =	sdelay $0x3  }
0xa7: {  	s1 =	sadd.s32 $0x1C700, s2;
	v8 =	vld [tilespmem:s2+$0x1C700]  }
0xa8: {  	s0 =	sadd.s32 $0x40, s0;
	v9 =	vld [tilespmem:s1+$0x10]  }
0xa9: {  	s31 =	sand.u32 $0x60, s26;
	v6 =	vld.idx.msk [tilespmem:v6+s3+$0x0], $0xffff;
	s0 =	sand.u32 $0x1F00, s0  }
0xaa: {  	s0 =	sor.u32 s31, s0;
	v7 =	vld.idx.msk [tilespmem:v7+s3+$0x0], $0xffff  }
0xab: {  	s1 =	sadd.s32 $0x1C700, s0;
	v10 =	vld [tilespmem:s0+$0x1C700]  }
0xac: {  	v11 =	vld [tilespmem:s1+$0x10];
	_ =	swait.ge [sflag:s22], $0x1000  }
0xad: {  	s2 =	simm.s32 $0x0;
	[sflag:s22] =	ssyncset.done $0x0  }
0xae: {  	s16 =	sand.u32 $0xFE0, s2;
	[sflag:s22] =	ssyncadd.s32 $0xFFFFF000  }
0xaf: {  	s1 =	simm.s32 $0x1B710;
	v13 =	vld [tilespmem:s16+$0x1B700]  }
0xb0: {  	v12 =	vld [tilespmem:s1+$0x0]  }
0xb1: {  	s26 =	simm.s32 $0x1B730  }
0xb2: {  	s30 =	simm.s32 $0x20;
	s16 =	sand.u32 $0x60, s2;
	s1 =	sand.u32 $0x1F00, s2  }
0xb3: {  	s31 =	sand.u32 $0xFE0, s30;
	v14 =	vld [tilespmem:s26+$0x0];
	s1 =	sor.u32 s16, s1  }
0xb4: {  	v15 =	vld [tilespmem:s31+$0x1B700];
	s0 =	sadd.s32 $0x1C700, s1  }
0xb5: {  	v16 =	vld [tilespmem:s0+$0x80]  }
0xb6: {  	v3 =	vsub.f32 v8, v3;
	v8 =	vld [tilespmem:s0+$0x90]  }
0xb7: {  	v13 =	vld.idx.msk [tilespmem:v13+s3+$0x0], $0xffff  }
0xb8: {  	v2 =	vsub.f32 v9, v2;
	v12 =	vld.idx.msk [tilespmem:v12+s3+$0x0], $0xffff  }
0xb9: {  	v0 =	vadd.f32 v4, v0;
	v3 =	vmul.f32 v3, v3;
	v4 =	vsub.f32 v10, v7  }
0xba: {  	v1 =	vadd.f32 v5, v1;
	v2 =	vmul.f32 v2, v2  }
0xbb: {  	s29 =	simm.s32 $0x40;
	s26 =	simm.s32 $0x1B750;
	v5 =	vsub.f32 v11, v6;
	v0 =	vadd.f32 v3, v0;
	v4 =	vmul.f32 v4, v4  }
0xbc: {  	s28 =	simm.s32 $0x40;
	s16 =	sand.u32 $0xFE0, s29;
	v3 =	vld [tilespmem:s26+$0x0];
	v2 =	vadd.f32 v2, v1;
	v6 =	vsub.f32 v16, v13  }
0xbd: {  	s30 =	sand.u32 $0x60, s30;
	s31 =	sand.u32 $0x1F00, s28;
	v5 =	vmul.f32 v5, v5;
	v0 =	vadd.f32 v4, v0;
	v4 =	vld [tilespmem:s16+$0x1B700];
	v7 =	vsub.f32 v8, v12  }
0xbe: {  	s1 =	sor.u32 s30, s31;
	v1 =	vld.idx.msk [tilespmem:v14+s3+$0x0], $0xffff;
	v6 =	vmul.f32 v6, v6  }
0xbf: {  	s0 =	simm.s32 $0x60;
	s1 =	sadd.s32 $0x1C700, s1;
	v2 =	vadd.f32 v5, v2;
	v5 =	vld.idx.msk [tilespmem:v15+s3+$0x0], $0xffff;
	v7 =	vmul.f32 v7, v7  }
.LBB2_16:
0xc0: {  	p0 =	sne.s32 s0, $0xFE0;
	v8 =	vld [tilespmem:s1+$0x80];
	v0 =	vadd.f32 v6, v0  }
0xc1: {  	v6 =	vld [tilespmem:s1+$0x90];
	v2 =	vadd.f32 v7, v2;
	v7 =	vmov v3;
	_ =	sdelay $0x1  }
0xc2: {  	v9 =	vmov v4  }
.Ltmp7:
0xc3: {  	s26 =	sadd.s32 $0x20, s26;
	(pc) =	sbr.rel @p0 .LBB2_16-.Ltmp7, $4  }
0xc4: {  	s28 =	sadd.s32 $0x40, s28;
	v3 =	vld [tilespmem:s26+$0x0];
	v5 =	vsub.f32 v8, v5  }
0xc5: {  	s2 =	sand.u32 $0x60, s29;
	s1 =	sand.u32 $0xFE0, s0;
	s16 =	sand.u32 $0x1F00, s28;
	v8 =	vsub.f32 v6, v1;
	v1 =	vld.idx.msk [tilespmem:v7+s3+$0x0], $0xffff  }
0xc6: {  	s29 =	smov.u32 s0;
	v4 =	vld [tilespmem:s1+$0x1B700];
	s1 =	sor.u32 s2, s16;
	v6 =	vmul.f32 v5, v5  }
0xc7: {  	s0 =	sadd.s32 $0x20, s0;
	v5 =	vld.idx.msk [tilespmem:v9+s3+$0x0], $0xffff;
	s1 =	sadd.s32 $0x1C700, s1;
	v7 =	vmul.f32 v8, v8  }
0xc8: {  	_ =	sdelay $0x3  }
0xc9: {  	v8 =	vld [tilespmem:s1+$0x80];
	s0 =	sadd.s32 $0x40, s28  }
0xca: {  	v9 =	vld [tilespmem:s1+$0x90];
	s30 =	sand.u32 $0x60, s29;
	s0 =	sand.u32 $0x1F00, s0  }
0xcb: {  	v3 =	vld.idx.msk [tilespmem:v3+s3+$0x0], $0xffff;
	s0 =	sor.u32 s30, s0  }
0xcc: {  	v4 =	vld.idx.msk [tilespmem:v4+s3+$0x0], $0xffff;
	s0 =	sadd.s32 $0x1C700, s0  }
0xcd: {  	v10 =	vld [tilespmem:s0+$0x80]  }
0xce: {  	v11 =	vld [tilespmem:s0+$0x90];
	_ =	sdelay $0x1  }
0xcf: {  	v5 =	vsub.f32 v8, v5  }
0xd0: {  	v1 =	vsub.f32 v9, v1  }
0xd1: {  	v0 =	vadd.f32 v6, v0;
	v2 =	vadd.f32 v7, v2;
	v5 =	vmul.f32 v5, v5  }
0xd2: {  	v1 =	vmul.f32 v1, v1;
	v4 =	vsub.f32 v10, v4;
	v3 =	vsub.f32 v11, v3  }
0xd3: {  	v0 =	vadd.f32 v5, v0  }
0xd4: {  	s31 =	simm.s32 $0x0;
	s1 =	simm.s32 $0x80;
	v1 =	vadd.f32 v1, v2;
	v2 =	vmul.f32 v4, v4;
	v3 =	vmul.f32 v3, v3  }
0xd5: {  	[tilespmem:s31], [sflag:$0x1] =	stream.strided.gather [hbm4b:s9+s17], $0x18700, s18, s17, $0x38;
	[tilespmem:$0x1E780] =	vst v63  }
0xd6: {  	s16 =	sadd.s32 $0x0, s10;
	s2 =	simm.s32 $0x1C800;
	s0 =	simm.s32 $0x1C700;
	v0 =	vadd.f32 v2, v0;
	v1 =	vadd.f32 v3, v1  }
.LBB2_18:
0xd7: {  	[tilespmem:s0], [sflag:$0x3] =	stream.linear.gather [hbm4b:s16+s3], $0x80, $0x38;
	[tilespmem:$0x1E780] =	vst v63  }
0xd8: {  	s16 =	smov.u32 s1;
	s0 =	smov.u32 s2;
	p0 =	sne.s32 s1, $0xF80  }
.Ltmp8:
0xd9: {  	s1 =	sadd.s32 $0x80, s1;
	(pc) =	sbr.rel @p0 .LBB2_18-.Ltmp8, $2  }
0xda: {  	_ =	sdelay $0x2  }
0xdb: {  	s2 =	sadd.s32 $0x100, s2;
	s16 =	sadd.s32 s16, s10  }
0xdc: {  	[tilespmem:s0], [sflag:$0x3] =	stream.linear.gather [hbm4b:s16+s3], $0x80, $0x38;
	[tilespmem:$0x1E780] =	vst v63  }
0xdd: {  	_ =	swait.ge [sflag:s20], $0x18700  }
0xde: {  	s0 =	simm.s32 $0x1C780;
	s1 =	simm.s32 $0x80;
	[sflag:s20] =	ssyncset.done $0x0  }
0xdf: {  	s16 =	sadd.s32 $0x0, s11;
	s2 =	simm.s32 $0x1C880;
	[sflag:s20] =	ssyncadd.s32 $0xFFFE7900  }
.LBB2_20:
0xe0: {  	[tilespmem:s0], [sflag:$0x4] =	stream.linear.gather [hbm4b:s16+s3], $0x80, $0x38;
	[tilespmem:$0x1E780] =	vst v63  }
0xe1: {  	s16 =	smov.u32 s1;
	s0 =	smov.u32 s2;
	p0 =	sne.s32 s1, $0xF80  }
.Ltmp9:
0xe2: {  	s1 =	sadd.s32 $0x80, s1;
	(pc) =	sbr.rel @p0 .LBB2_20-.Ltmp9, $2  }
0xe3: {  	_ =	sdelay $0x2  }
0xe4: {  	s2 =	sadd.s32 $0x100, s2;
	s16 =	sadd.s32 s16, s11  }
0xe5: {  	[tilespmem:s0], [sflag:$0x4] =	stream.linear.gather [hbm4b:s16+s3], $0x80, $0x38;
	[tilespmem:$0x1E780] =	vst v63  }
0xe6: {  	s0 =	simm.s32 $0x0;
	_ =	swait.ge [sflag:s21], $0x1000  }
0xe7: {  	s2 =	simm.s32 $0x18700;
	s1 =	sand.u32 $0x60, s0;
	[sflag:s21] =	ssyncset.done $0x0  }
0xe8: {  	s26 =	sand.u32 $0xF80, s0;
	s16 =	sor.u32 $0x10, s1;
	[sflag:s21] =	ssyncadd.s32 $0xFFFFF000  }
0xe9: {  	s26 =	sor.u32 s16, s26;
	v2 =	vld [tilespmem:s2+$0x0]  }
0xea: {  	s0 =	sand.u32 $0x1F00, s0;
	v3 =	vld [tilespmem:s26+$0x18700]  }
0xeb: {  	s0 =	sadd.s32 $0x1C700, s0;
	s26 =	simm.s32 $0x18720  }
0xec: {  	v6 =	vld [tilespmem:s26+$0x0];
	s26 =	sor.u32 s16, s0;
	s16 =	simm.s32 $0x20  }
0xed: {  	v5 =	vld [tilespmem:s26+$0x0];
	s26 =	sand.u32 $0x60, s16  }
0xee: {  	s0 =	sor.u32 s1, s0;
	s2 =	sand.u32 $0xF80, s16;
	s28 =	sor.u32 $0x10, s26  }
0xef: {  	v8 =	vld [tilespmem:s0+$0x0];
	s0 =	sor.u32 s28, s2  }
0xf0: {  	v4 =	vld [tilespmem:s0+$0x18700]  }
0xf1: {  	v7 =	vld.idx.msk [tilespmem:v2+s3+$0x0], $0xffff  }
0xf2: {  	v2 =	vld.idx.msk [tilespmem:v3+s3+$0x0], $0xffff;
	_ =	sdelay $0x2  }
0xf3: {  	s16 =	simm.s32 $0x40  }
0xf4: {  	s31 =	simm.s32 $0x18740;
	s30 =	sand.u32 $0x60, s16  }
0xf5: {  	s29 =	simm.s32 $0x40;
	s1 =	sand.u32 $0xF80, s16;
	s0 =	sor.u32 $0x10, s30;
	v3 =	vld [tilespmem:s31+$0x0];
	v5 =	vsub.f32 v5, v2  }
0xf6: {  	s16 =	sand.u32 $0x1F00, s29;
	s2 =	sor.u32 s0, s1;
	s1 =	simm.s32 $0x60;
	v2 =	vld.idx.msk [tilespmem:v6+s3+$0x0], $0xffff;
	v6 =	vsub.f32 v8, v7  }
.LBB2_22:
0xf7: {  	p0 =	sne.s32 s1, $0xFE0;
	v7 =	vld [tilespmem:s2+$0x18700];
	s2 =	sadd.s32 $0x1C700, s16;
	v5 =	vmul.f32 v5, v5  }
0xf8: {  	v8 =	vld.idx.msk [tilespmem:v4+s3+$0x0], $0xffff;
	s16 =	sor.u32 s26, s2;
	s2 =	sor.u32 s28, s2;
	v4 =	vmul.f32 v6, v6;
	s26 =	smov.u32 s30  }
0xf9: {  	s28 =	smov.u32 s0;
	v6 =	vld [tilespmem:s2+$0x0];
	v1 =	vadd.f32 v5, v1  }
0xfa: {  	v9 =	vld [tilespmem:s16+$0x0];
	v0 =	vadd.f32 v4, v0;
	v10 =	vmov v3  }
.Ltmp10:
0xfb: {  	(pc) =	sbr.rel @p0 .LBB2_22-.Ltmp10, $4  }
0xfc: {  	v4 =	vmov v7  }
0xfd: {  	s31 =	sadd.s32 $0x20, s31;
	s30 =	sand.u32 $0x60, s1  }
0xfe: {  	s29 =	sadd.s32 $0x40, s29;
	s0 =	sor.u32 $0x10, s30;
	s2 =	sand.u32 $0xF80, s1;
	v3 =	vld [tilespmem:s31+$0x0];
	v5 =	vsub.f32 v6, v8  }
0xff: {  	s1 =	sadd.s32 $0x20, s1;
	s2 =	sor.u32 s0, s2;
	s16 =	sand.u32 $0x1F00, s29;
	v6 =	vsub.f32 v9, v2;
	v2 =	vld.idx.msk [tilespmem:v10+s3+$0x0], $0xffff  }
0x100: {  	_ =	sdelay $0x1  }
0x101: {  	v7 =	vld [tilespmem:s2+$0x18700]  }
0x102: {  	s1 =	sadd.s32 $0x1C700, s16  }
0x103: {  	v4 =	vld.idx.msk [tilespmem:v4+s3+$0x0], $0xffff;
	s29 =	sadd.s32 $0x40, s29;
	s28 =	sor.u32 s28, s1  }
0x104: {  	s1 =	sor.u32 s26, s1;
	s31 =	sand.u32 $0x1F00, s29;
	v8 =	vld [tilespmem:s28+$0x0]  }
0x105: {  	v9 =	vld [tilespmem:s1+$0x0];
	s1 =	sadd.s32 $0x1C700, s31  }
0x106: {  	v3 =	vld.idx.msk [tilespmem:v3+s3+$0x0], $0xffff;
	s0 =	sor.u32 s0, s1  }
0x107: {  	s1 =	sor.u32 s30, s1;
	v10 =	vld [tilespmem:s0+$0x0]  }
0x108: {  	v11 =	vld [tilespmem:s1+$0x0]  }
0x109: {  	v7 =	vld.idx.msk [tilespmem:v7+s3+$0x0], $0xffff;
	_ =	sdelay $0x1  }
0x10a: {  	v5 =	vmul.f32 v5, v5;
	v6 =	vmul.f32 v6, v6;
	v4 =	vsub.f32 v8, v4  }
0x10b: {  	v2 =	vsub.f32 v9, v2  }
0x10c: {  	v1 =	vadd.f32 v5, v1;
	v0 =	vadd.f32 v6, v0;
	v4 =	vmul.f32 v4, v4  }
0x10d: {  	v2 =	vmul.f32 v2, v2;
	v3 =	vsub.f32 v11, v3;
	v63 =	vsub.f32 v10, v7  }
0x10e: {  	v1 =	vadd.f32 v4, v1  }
0x10f: {  	v2 =	vadd.f32 v2, v0;
	v3 =	vmul.f32 v3, v3;
	v0 =	vmul.f32 v63, v63;
	_ =	sdelay $0x1  }
0x110: {  	s16 =	sadd.s32 $0x0, s12;
	v0 =	vadd.f32 v0, v1;
	v1 =	vadd.f32 v3, v2  }
0x111: {  	s2 =	simm.s32 $0x1C800;
	s0 =	simm.s32 $0x1C700;
	s1 =	simm.s32 $0x80  }
.LBB2_24:
0x112: {  	[tilespmem:s0], [sflag:$0x3] =	stream.linear.gather [hbm4b:s16+s3], $0x80, $0x38;
	[tilespmem:$0x1E780] =	vst v63  }
0x113: {  	s16 =	smov.u32 s1;
	s0 =	smov.u32 s2;
	p0 =	sne.s32 s1, $0xF80  }
.Ltmp11:
0x114: {  	s1 =	sadd.s32 $0x80, s1;
	(pc) =	sbr.rel @p0 .LBB2_24-.Ltmp11, $2  }
0x115: {  	_ =	sdelay $0x2  }
0x116: {  	s2 =	sadd.s32 $0x100, s2;
	s16 =	sadd.s32 s16, s12  }
0x117: {  	[tilespmem:s0], [sflag:$0x3] =	stream.linear.gather [hbm4b:s16+s3], $0x80, $0x38;
	[tilespmem:$0x1E780] =	vst v63  }
0x118: {  	_ =	swait.ge [sflag:s22], $0x1000  }
0x119: {  	[sflag:s22] =	ssyncset.done $0x0  }
0x11a: {  	s29 =	simm.s32 $0x19710;
	s1 =	simm.s32 $0x0;
	[sflag:s22] =	ssyncadd.s32 $0xFFFFF000  }
0x11b: {  	s30 =	sand.u32 $0xFE0, s1;
	v2 =	vld [tilespmem:s29+$0x0]  }
0x11c: {  	v3 =	vld [tilespmem:s30+$0x19700];
	_ =	sdelay $0x1  }
0x11d: {  	s31 =	simm.s32 $0x19730  }
0x11e: {  	s2 =	simm.s32 $0x20;
	s26 =	sand.u32 $0x60, s1;
	s1 =	sand.u32 $0x1F00, s1  }
0x11f: {  	s16 =	sand.u32 $0xFE0, s2;
	v4 =	vld [tilespmem:s31+$0x0];
	s29 =	sor.u32 s26, s1  }
0x120: {  	v7 =	vld [tilespmem:s16+$0x19700];
	s0 =	sadd.s32 $0x1C700, s29  }
0x121: {  	v6 =	vld [tilespmem:s0+$0x80]  }
0x122: {  	v5 =	vld.idx.msk [tilespmem:v2+s3+$0x0], $0xffff  }
0x123: {  	v2 =	vld.idx.msk [tilespmem:v3+s3+$0x0], $0xffff  }
0x124: {  	v8 =	vld [tilespmem:s0+$0x90];
	_ =	sdelay $0x2  }
0x125: {  	s26 =	simm.s32 $0x19750  }
0x126: {  	s28 =	simm.s32 $0x40;
	s0 =	simm.s32 $0x40;
	v3 =	vld [tilespmem:s26+$0x0];
	v6 =	vsub.f32 v6, v2  }
0x127: {  	s2 =	sand.u32 $0x60, s2;
	s31 =	sand.u32 $0x1F00, s28;
	s30 =	sand.u32 $0xFE0, s0;
	v2 =	vld.idx.msk [tilespmem:v4+s3+$0x0], $0xffff;
	v8 =	vsub.f32 v8, v5  }
0x128: {  	s2 =	sor.u32 s2, s31;
	v4 =	vld [tilespmem:s30+$0x19700];
	v6 =	vmul.f32 v6, v6  }
0x129: {  	s1 =	simm.s32 $0x60;
	s2 =	sadd.s32 $0x1C700, s2;
	v5 =	vld.idx.msk [tilespmem:v7+s3+$0x0], $0xffff;
	v7 =	vmul.f32 v8, v8  }
.LBB2_26:
0x12a: {  	p0 =	sne.s32 s1, $0xFE0;
	v8 =	vld [tilespmem:s2+$0x80];
	v1 =	vadd.f32 v6, v1  }
0x12b: {  	v6 =	vld [tilespmem:s2+$0x90];
	v0 =	vadd.f32 v7, v0;
	v7 =	vmov v3;
	_ =	sdelay $0x1  }
0x12c: {  	v9 =	vmov v4  }
.Ltmp12:
0x12d: {  	s26 =	sadd.s32 $0x20, s26;
	(pc) =	sbr.rel @p0 .LBB2_26-.Ltmp12, $4  }
0x12e: {  	s28 =	sadd.s32 $0x40, s28;
	v3 =	vld [tilespmem:s26+$0x0];
	v5 =	vsub.f32 v8, v5  }
0x12f: {  	s0 =	sand.u32 $0x60, s0;
	s2 =	sand.u32 $0xFE0, s1;
	s16 =	sand.u32 $0x1F00, s28;
	v8 =	vsub.f32 v6, v2;
	v2 =	vld.idx.msk [tilespmem:v7+s3+$0x0], $0xffff  }
0x130: {  	v4 =	vld [tilespmem:s2+$0x19700];
	s2 =	sor.u32 s0, s16;
	v6 =	vmul.f32 v5, v5;
	s0 =	smov.u32 s1  }
0x131: {  	s1 =	sadd.s32 $0x20, s1;
	v5 =	vld.idx.msk [tilespmem:v9+s3+$0x0], $0xffff;
	s2 =	sadd.s32 $0x1C700, s2;
	v7 =	vmul.f32 v8, v8  }
0x132: {  	_ =	sdelay $0x3  }
0x133: {  	v8 =	vld [tilespmem:s2+$0x80];
	s1 =	sadd.s32 $0x40, s28  }
0x134: {  	v9 =	vld [tilespmem:s2+$0x90];
	s0 =	sand.u32 $0x60, s0;
	s1 =	sand.u32 $0x1F00, s1  }
0x135: {  	v3 =	vld.idx.msk [tilespmem:v3+s3+$0x0], $0xffff;
	s0 =	sor.u32 s0, s1  }
0x136: {  	v4 =	vld.idx.msk [tilespmem:v4+s3+$0x0], $0xffff;
	s0 =	sadd.s32 $0x1C700, s0  }
0x137: {  	v10 =	vld [tilespmem:s0+$0x80]  }
0x138: {  	v11 =	vld [tilespmem:s0+$0x90];
	_ =	sdelay $0x1  }
0x139: {  	v5 =	vsub.f32 v8, v5;
	v2 =	vsub.f32 v9, v2  }
0x13a: {  	v1 =	vadd.f32 v6, v1;
	v0 =	vadd.f32 v7, v0  }
0x13b: {  	v5 =	vmul.f32 v5, v5;
	v2 =	vmul.f32 v2, v2;
	v4 =	vsub.f32 v10, v4  }
0x13c: {  	v3 =	vsub.f32 v11, v3  }
0x13d: {  	v1 =	vadd.f32 v5, v1;
	v2 =	vadd.f32 v2, v0;
	v0 =	vmul.f32 v4, v4  }
0x13e: {  	v3 =	vmul.f32 v3, v3  }
0x13f: {  	s16 =	sadd.s32 $0x0, s13;
	v0 =	vadd.f32 v0, v1  }
0x140: {  	s2 =	simm.s32 $0x1C880;
	s1 =	simm.s32 $0x80;
	s0 =	simm.s32 $0x1C780;
	v1 =	vadd.f32 v3, v2  }
.LBB2_28:
0x141: {  	[tilespmem:s0], [sflag:$0x4] =	stream.linear.gather [hbm4b:s16+s3], $0x80, $0x38;
	[tilespmem:$0x1E780] =	vst v63  }
0x142: {  	s16 =	smov.u32 s1;
	s0 =	smov.u32 s2;
	p0 =	sne.s32 s1, $0xF80  }
.Ltmp13:
0x143: {  	s1 =	sadd.s32 $0x80, s1;
	(pc) =	sbr.rel @p0 .LBB2_28-.Ltmp13, $2  }
0x144: {  	_ =	sdelay $0x2  }
0x145: {  	s2 =	sadd.s32 $0x100, s2;
	s16 =	sadd.s32 s16, s13  }
0x146: {  	[tilespmem:s0], [sflag:$0x4] =	stream.linear.gather [hbm4b:s16+s3], $0x80, $0x38;
	[tilespmem:$0x1E780] =	vst v63  }
0x147: {  	_ =	swait.ge [sflag:s21], $0x1000  }
0x148: {  	[sflag:s21] =	ssyncset.done $0x0  }
0x149: {  	s31 =	simm.s32 $0x1A710;
	s1 =	simm.s32 $0x0;
	[sflag:s21] =	ssyncadd.s32 $0xFFFFF000  }
0x14a: {  	s2 =	sand.u32 $0xFE0, s1;
	v2 =	vld [tilespmem:s31+$0x0]  }
0x14b: {  	v3 =	vld [tilespmem:s2+$0x1A700];
	_ =	sdelay $0x3  }
0x14c: {  	s16 =	simm.s32 $0x1A730;
	s2 =	simm.s32 $0x20  }
0x14d: {  	v4 =	vld [tilespmem:s16+$0x0];
	s26 =	sand.u32 $0xFE0, s2  }
0x14e: {  	v8 =	vld [tilespmem:s26+$0x1A700]  }
0x14f: {  	s29 =	sand.u32 $0x60, s1;
	s1 =	sand.u32 $0x1F00, s1;
	v5 =	vld.idx.msk [tilespmem:v2+s3+$0x0], $0xffff  }
0x150: {  	s0 =	sor.u32 s29, s1;
	v2 =	vld.idx.msk [tilespmem:v3+s3+$0x0], $0xffff  }
0x151: {  	s1 =	sadd.s32 $0x1C700, s0;
	v3 =	vld [tilespmem:s0+$0x1C700]  }
0x152: {  	v7 =	vld [tilespmem:s1+$0x10];
	_ =	sdelay $0x2  }
0x153: {  	s28 =	simm.s32 $0x1A750  }
0x154: {  	v6 =	vld [tilespmem:s28+$0x0];
	s26 =	simm.s32 $0x40;
	v3 =	vsub.f32 v3, v2  }
0x155: {  	s30 =	sand.u32 $0xFE0, s26;
	s0 =	simm.s32 $0x40;
	v2 =	vld.idx.msk [tilespmem:v4+s3+$0x0], $0xffff;
	v5 =	vsub.f32 v7, v5  }
0x156: {  	s2 =	sand.u32 $0x60, s2;
	s31 =	sand.u32 $0x1F00, s0;
	v7 =	vld [tilespmem:s30+$0x1A700];
	v4 =	vmul.f32 v3, v3  }
0x157: {  	s1 =	simm.s32 $0x60;
	s2 =	sor.u32 s2, s31;
	v3 =	vld.idx.msk [tilespmem:v8+s3+$0x0], $0xffff;
	v5 =	vmul.f32 v5, v5  }
.LBB2_30:
0x158: {  	p0 =	sne.s32 s1, $0xFE0;
	s16 =	sadd.s32 $0x1C700, s2;
	v8 =	vld [tilespmem:s2+$0x1C700];
	v0 =	vadd.f32 v4, v0  }
0x159: {  	v4 =	vld [tilespmem:s16+$0x10];
	v1 =	vadd.f32 v5, v1;
	v5 =	vmov v6;
	_ =	sdelay $0x1  }
0x15a: {  	v9 =	vmov v7  }
.Ltmp14:
0x15b: {  	s28 =	sadd.s32 $0x20, s28;
	(pc) =	sbr.rel @p0 .LBB2_30-.Ltmp14, $4  }
0x15c: {  	v6 =	vld [tilespmem:s28+$0x0];
	v3 =	vsub.f32 v8, v3  }
0x15d: {  	s2 =	sand.u32 $0xFE0, s1;
	s0 =	sadd.s32 $0x40, s0;
	v8 =	vsub.f32 v4, v2;
	v2 =	vld.idx.msk [tilespmem:v5+s3+$0x0], $0xffff  }
0x15e: {  	s16 =	sand.u32 $0x1F00, s0;
	v7 =	vld [tilespmem:s2+$0x1A700];
	s2 =	sand.u32 $0x60, s26;
	v4 =	vmul.f32 v3, v3;
	s26 =	smov.u32 s1  }
0x15f: {  	s1 =	sadd.s32 $0x20, s1;
	v3 =	vld.idx.msk [tilespmem:v9+s3+$0x0], $0xffff;
	s2 =	sor.u32 s2, s16;
	v5 =	vmul.f32 v8, v8  }
0x160: {  	_ =	sdelay $0x3  }
0x161: {  	s1 =	sadd.s32 $0x1C700, s2;
	v8 =	vld [tilespmem:s2+$0x1C700]  }
0x162: {  	s0 =	sadd.s32 $0x40, s0;
	v9 =	vld [tilespmem:s1+$0x10]  }
0x163: {  	s31 =	sand.u32 $0x60, s26;
	v6 =	vld.idx.msk [tilespmem:v6+s3+$0x0], $0xffff;
	s0 =	sand.u32 $0x1F00, s0  }
0x164: {  	s0 =	sor.u32 s31, s0;
	v7 =	vld.idx.msk [tilespmem:v7+s3+$0x0], $0xffff  }
0x165: {  	s1 =	sadd.s32 $0x1C700, s0;
	v10 =	vld [tilespmem:s0+$0x1C700]  }
0x166: {  	v11 =	vld [tilespmem:s1+$0x10];
	_ =	swait.ge [sflag:s22], $0x1000  }
0x167: {  	s2 =	simm.s32 $0x0;
	[sflag:s22] =	ssyncset.done $0x0  }
0x168: {  	s16 =	sand.u32 $0xFE0, s2;
	[sflag:s22] =	ssyncadd.s32 $0xFFFFF000  }
0x169: {  	s1 =	simm.s32 $0x1B710;
	v13 =	vld [tilespmem:s16+$0x1B700]  }
0x16a: {  	v12 =	vld [tilespmem:s1+$0x0]  }
0x16b: {  	s26 =	simm.s32 $0x1B730  }
0x16c: {  	s30 =	simm.s32 $0x20;
	s16 =	sand.u32 $0x60, s2;
	s1 =	sand.u32 $0x1F00, s2  }
0x16d: {  	s31 =	sand.u32 $0xFE0, s30;
	v14 =	vld [tilespmem:s26+$0x0];
	s1 =	sor.u32 s16, s1  }
0x16e: {  	v15 =	vld [tilespmem:s31+$0x1B700];
	s0 =	sadd.s32 $0x1C700, s1  }
0x16f: {  	v16 =	vld [tilespmem:s0+$0x80]  }
0x170: {  	v3 =	vsub.f32 v8, v3;
	v8 =	vld [tilespmem:s0+$0x90]  }
0x171: {  	v13 =	vld.idx.msk [tilespmem:v13+s3+$0x0], $0xffff  }
0x172: {  	v2 =	vsub.f32 v9, v2;
	v12 =	vld.idx.msk [tilespmem:v12+s3+$0x0], $0xffff  }
0x173: {  	v0 =	vadd.f32 v4, v0;
	v3 =	vmul.f32 v3, v3;
	v4 =	vsub.f32 v10, v7  }
0x174: {  	v1 =	vadd.f32 v5, v1;
	v2 =	vmul.f32 v2, v2  }
0x175: {  	s29 =	simm.s32 $0x40;
	s26 =	simm.s32 $0x1B750;
	v5 =	vsub.f32 v11, v6;
	v0 =	vadd.f32 v3, v0;
	v4 =	vmul.f32 v4, v4  }
0x176: {  	s28 =	simm.s32 $0x40;
	s16 =	sand.u32 $0xFE0, s29;
	v3 =	vld [tilespmem:s26+$0x0];
	v2 =	vadd.f32 v2, v1;
	v6 =	vsub.f32 v16, v13  }
0x177: {  	s30 =	sand.u32 $0x60, s30;
	s31 =	sand.u32 $0x1F00, s28;
	v5 =	vmul.f32 v5, v5;
	v0 =	vadd.f32 v4, v0;
	v4 =	vld [tilespmem:s16+$0x1B700];
	v7 =	vsub.f32 v8, v12  }
0x178: {  	s1 =	sor.u32 s30, s31;
	v1 =	vld.idx.msk [tilespmem:v14+s3+$0x0], $0xffff;
	v6 =	vmul.f32 v6, v6  }
0x179: {  	s0 =	simm.s32 $0x60;
	s1 =	sadd.s32 $0x1C700, s1;
	v2 =	vadd.f32 v5, v2;
	v5 =	vld.idx.msk [tilespmem:v15+s3+$0x0], $0xffff;
	v7 =	vmul.f32 v7, v7  }
.LBB2_32:
0x17a: {  	p0 =	sne.s32 s0, $0xFE0;
	v8 =	vld [tilespmem:s1+$0x80];
	v0 =	vadd.f32 v6, v0  }
0x17b: {  	v6 =	vld [tilespmem:s1+$0x90];
	v2 =	vadd.f32 v7, v2;
	v7 =	vmov v3;
	_ =	sdelay $0x1  }
0x17c: {  	v9 =	vmov v4  }
.Ltmp15:
0x17d: {  	s26 =	sadd.s32 $0x20, s26;
	(pc) =	sbr.rel @p0 .LBB2_32-.Ltmp15, $4  }
0x17e: {  	s28 =	sadd.s32 $0x40, s28;
	v3 =	vld [tilespmem:s26+$0x0];
	v5 =	vsub.f32 v8, v5  }
0x17f: {  	s2 =	sand.u32 $0x60, s29;
	s1 =	sand.u32 $0xFE0, s0;
	s16 =	sand.u32 $0x1F00, s28;
	v8 =	vsub.f32 v6, v1;
	v1 =	vld.idx.msk [tilespmem:v7+s3+$0x0], $0xffff  }
0x180: {  	s29 =	smov.u32 s0;
	v4 =	vld [tilespmem:s1+$0x1B700];
	s1 =	sor.u32 s2, s16;
	v6 =	vmul.f32 v5, v5  }
0x181: {  	s0 =	sadd.s32 $0x20, s0;
	v5 =	vld.idx.msk [tilespmem:v9+s3+$0x0], $0xffff;
	s1 =	sadd.s32 $0x1C700, s1;
	v7 =	vmul.f32 v8, v8  }
0x182: {  	_ =	sdelay $0x3  }
0x183: {  	v8 =	vld [tilespmem:s1+$0x80];
	s0 =	sadd.s32 $0x40, s28  }
0x184: {  	v9 =	vld [tilespmem:s1+$0x90];
	s31 =	sand.u32 $0x60, s29;
	s0 =	sand.u32 $0x1F00, s0  }
0x185: {  	v3 =	vld.idx.msk [tilespmem:v3+s3+$0x0], $0xffff;
	s0 =	sor.u32 s31, s0  }
0x186: {  	v4 =	vld.idx.msk [tilespmem:v4+s3+$0x0], $0xffff;
	s0 =	sadd.s32 $0x1C700, s0  }
0x187: {  	v10 =	vld [tilespmem:s0+$0x80]  }
0x188: {  	v11 =	vld [tilespmem:s0+$0x90];
	_ =	sdelay $0x1  }
0x189: {  	v5 =	vsub.f32 v8, v5  }
0x18a: {  	v1 =	vsub.f32 v9, v1  }
0x18b: {  	v0 =	vadd.f32 v6, v0;
	v2 =	vadd.f32 v7, v2;
	v5 =	vmul.f32 v5, v5  }
0x18c: {  	v1 =	vmul.f32 v1, v1;
	v4 =	vsub.f32 v10, v4;
	v3 =	vsub.f32 v11, v3  }
0x18d: {  	v0 =	vadd.f32 v5, v0  }
0x18e: {  	v1 =	vadd.f32 v1, v2;
	v63 =	vmul.f32 v4, v4;
	v3 =	vmul.f32 v3, v3;
	_ =	sdelay $0x1  }
0x18f: {  	v0 =	vadd.f32 v63, v0;
	v1 =	vadd.f32 v3, v1;
	_ =	sdelay $0x1  }
0x190: {  	v0 =	vadd.f32 v1, v0;
	_ =	sdelay $0x1  }
0x191: {  	s25 =	sadd.s32 $0x1, s25;
	v0 =	vmul.f32 $9.536743160e-07, v0  }
0x192: {  	p0 =	sne.s32 s25, s15  }
.Ltmp16:
0x193: {  	[tilespmem:$0x1E700] =	vst v0;
	(pc) =	sbr.rel @p0 .LBB2_1-.Ltmp16, $4  }
0x194: {  	[hbm4b:s14+s3] =	stream.linear.scatter [tilespmem:s23], [sflag:$0x5], $0x80, $0x38;
	[tilespmem:$0x1E780] =	vst v63  }
0x195: {  	_ =	swait.ge [sflag:s24], $0x80  }
0x196: {  	[sflag:s24] =	ssyncset.done $0x0  }
0x197: {  	[sflag:s24] =	ssyncadd.s32 $0xFFFFFF80  }
0x198: {  	_ =	sfence.sel $0x180000  }
0x199: {  	[bflag:$0x0] =	sbarrier.arrive $0xFFFF  }
0x19a: {  	_ =	strace $0x90000047  }
0x19b: {  	s0 =	stileid.u32;
	[bflag:$0x2] =	sbarrier.arrive $0xFFFF  }
0x19c: {  	p0 =	sne.s32 s0, $0x0;
	s0 =	rddreg [dreg:$0x4]  }
0x19d: {  	s0 =	sadd.s32 @!p0 $0x100000, s0  }
0x19e: {  	[sflag:s0] =	ssyncadd.tile.s32 @!p0 $0x1;
	_ =	shalt  }
.Lfunc_end2:
_tile_overlayer_lowered:
.L_overlay_start_2:
0x19f: {  	(tag) =	ssettag $0x2  }
0x1a0: {  	s0 =	rddreg [dreg:$0x0];
	s2 =	stileid.u32  }
0x1a1: {  	s1 =	rddreg [dreg:$0x1];
	p0 =	sne.s32 s2, $0x0  }
0x1a2: {  	s3 =	rddreg [dreg:$0x2];
	[bflag:$0x3] =	sbarrier.arrive $0xFFFF;
	s2 =	simm.s32 @!p0 $0x1C05  }
0x1a3: {  	[timem:s3], [sflag:s2] =	dma.local @!p0 [hbm:s0], s1  }
0x1a4: {  	s0 =	simm.s32 @!p0 $0x5  }
0x1a5: {  	_ =	swait.ge @!p0 [sflag:s0], s1  }
0x1a6: {  	s1 =	ssub.s32 @!p0 $0x0, s1;
	[sflag:s0] =	ssyncset.done @!p0 $0x0  }
0x1a7: {  	[sflag:s0] =	ssyncadd.s32 @!p0 s1  }
0x1a8: {  	[bflag:$0x3] =	sbarrier.arrive $0xFFFF  }
0x1a9: {  	_ =	shalt  }

</sc_bundles>
